<compile_context>
chip_gen: v7x
topology: tpu7x:2x2x1
jax: 0.10.2.dev20260603
libtpu: 0.0.44.dev20260713+nightly
codegen_flags: <defaults>
</compile_context>

<pallas_src>
import functools

import jax
import jax.numpy as jnp
from jax import lax
from jax.experimental import pallas as pl
from jax.experimental.pallas import tpu as pltpu
from jax.experimental.pallas import tpu_sc as plsc

B, A, F = 256, 128, 128
NW = 32
GPW = B // NW
NV = F // 16
IN_BITS = (128, 64, 32, 16)


def _sc_body(x_hbm, ms_hbm, prev_hbm, out_hbm,
             ms_v, xb, p0b, p1b, ob, ms_s, sem_in, sem_out):
    wid = lax.axis_index("s") * 2 + lax.axis_index("c")
    g0 = pl.multiple_of(wid * GPW, GPW)
    pltpu.sync_copy(ms_hbm.at[pl.ds(g0 * 2, 2 * GPW)], ms_v)
    mvec = ms_v[...]
    for i in range(GPW):
        ms_s[i] = mvec[2 * i]

    def r8_of(idx):
        return (ms_s[idx] + 7) & ~7

    def r16_of(idx):
        return (ms_s[idx] + 15) & ~15

    def in_po2(idx, op):
        g = g0 + idx
        r16 = r16_of(idx)
        s = lax.rem(idx, 2)
        sem = sem_in.at[s]
        for bit in IN_BITS:
            def blk(bit=bit):
                off = pl.multiple_of(r16 & ~(2 * bit - 1), 8)
                sl = pl.ds(off, bit)
                op(pltpu.make_async_copy(x_hbm.at[g, sl, :],
                                         xb.at[s, sl], sem))
                op(pltpu.make_async_copy(prev_hbm.at[0, g, sl, :],
                                         p0b.at[s, sl], sem))
                op(pltpu.make_async_copy(prev_hbm.at[1, g, sl, :],
                                         p1b.at[s, sl], sem))
            pl.when((r16 & bit) != 0)(blk)

    def out_full(idx, op):
        op(pltpu.make_async_copy(ob, out_hbm.at[g0 + idx], sem_out))

    def compute(idx):
        m = ms_s[idx]
        r8 = r8_of(idx)
        prev_end = jnp.where(idx == 0, A, r8_of(lax.rem(idx - 1 + GPW, GPW)))
        zend = jnp.maximum(r8, prev_end)
        zvec = jnp.zeros((16,), jnp.float32)

        @plsc.parallel_loop(r8, zend, step=1, unroll=4)
        def zrow_body(j):
            for k in range(NV):
                ob[j, pl.ds(k * 16, 16)] = zvec

        s = lax.rem(idx, 2)

        @plsc.parallel_loop(0, r8, step=1, unroll=8)
        def row_body(j):
            valid = j < m
            for k in range(NV):
                sl = pl.ds(k * 16, 16)
                v = xb[s, j, sl] + p0b[s, j, sl] + p1b[s, j, sl]
                ob[j, sl] = jnp.where(valid, jnp.maximum(v, 0.0), 0.0)

    start = lambda cp: cp.start()
    wait = lambda cp: cp.wait()

    in_po2(0, start)

    def graph_body(i, _):
        pl.when(i + 1 < GPW)(lambda: in_po2(i + 1, start))
        in_po2(i, wait)
        pl.when(i >= 1)(lambda: out_full(i - 1, wait))
        compute(i)
        out_full(i, start)
        return 0

    lax.fori_loop(0, GPW, graph_body, 0)

    out_full(GPW - 1, wait)


def kernel(atom_features, mol_slice, prev_activations):
    mesh = plsc.VectorSubcoreMesh(core_axis_name="c", subcore_axis_name="s")
    run = functools.partial(
        pl.kernel,
        mesh=mesh,
        out_type=jax.ShapeDtypeStruct((B, A, F), jnp.float32),
        scratch_types=[
            pltpu.VMEM((2 * GPW,), jnp.int32),
            pltpu.VMEM((2, A, F), jnp.float32),
            pltpu.VMEM((2, A, F), jnp.float32),
            pltpu.VMEM((2, A, F), jnp.float32),
            pltpu.VMEM((A, F), jnp.float32),
            pltpu.SMEM((GPW,), jnp.int32),
            pltpu.SemaphoreType.DMA((2,)),
            pltpu.SemaphoreType.DMA,
        ],
    )(_sc_body)
    return run(atom_features, mol_slice.reshape(-1), prev_activations)

# --- scband reference (transcript-rebuilt; emitter-appended) ---
"""Pipeline reference for scband-dense-block-end-13408887898713 (READ-ONLY COPY).

The authoritative reference and input builder live on the scoring server;
editing this copy changes nothing except your own understanding.
"""

import jax, jax.numpy as jnp
import numpy as np

BATCH = 256
MAX_ATOM = 128
NFEAT = 128
NRES = 2  # two SGC_LL layers per dense block -> 2 saved residual activations


def setup_inputs(seed: int = 0) -> dict:
    key = jax.random.key(seed)
    k1, k2, k3 = jax.random.split(key, 3)
    atom_features = jax.random.normal(k1, (BATCH, MAX_ATOM, NFEAT), dtype=jnp.float32)
    # mol_slice[:, 0] = number of valid atoms M per graph (ragged lengths),
    # mol_slice[:, 1] = feature width (always n_features, as in the original pipeline)
    m = jax.random.randint(k2, (BATCH,), 1, MAX_ATOM + 1, dtype=jnp.int32)
    mol_slice = jnp.stack([m, jnp.full((BATCH,), NFEAT, dtype=jnp.int32)], axis=1)
    prev_activations = jax.random.normal(k3, (NRES, BATCH, MAX_ATOM, NFEAT), dtype=jnp.float32)
    return {
        "atom_features": atom_features,
        "mol_slice": mol_slice,
        "prev_activations": prev_activations,
    }


def reference(atom_features, mol_slice, prev_activations):
    # Faithful vectorized translation of DenseBlockEnd.call + add_l_residuals:
    # for each residual layer, per graph g: slice x and x_res to [M_g, F_g],
    # add them, zero-pad rows back to max_atom, then apply activation.
    # Slicing-to-[M, F] then zero-padding == masked add with a (row < M) & (col < F) mask.
    B, A, F = atom_features.shape
    row_mask = jnp.arange(A, dtype=mol_slice.dtype)[None, :, None] < mol_slice[:, 0][:, None, None]
    col_mask = jnp.arange(F, dtype=mol_slice.dtype)[None, None, :] < mol_slice[:, 1][:, None, None]
    mask = row_mask & col_mask  # [B, A, F]
    feats = atom_features
    n_res = prev_activations.shape[0]
    for layer_id in range(n_res):
        feats = jnp.where(mask, feats + prev_activations[layer_id], 0.0)
    # activation applied per-graph in the original (map over list) == elementwise relu
    return jax.nn.relu(feats)

if __name__ == "__main__":
    import jax
    _d = setup_inputs()
    print(jax.jit(kernel)(*tuple(_d.values())))

</pallas_src>

<mosaic_0001>
#map = affine_map<(d0, d1) -> (0, 0, 0)>
#map1 = affine_map<(d0, d1) -> (0)>
#map2 = affine_map<(d0, d1) -> (0, 0, 0, 0)>
module attributes {stable_mosaic.version = 14 : i64} {
  func.func @_sc_body(%arg0: i32, %arg1: i32, %arg2: memref<256x128x128xf32, #tpu.memory_space<hbm>>, %arg3: memref<512xi32, #tpu.memory_space<hbm>>, %arg4: memref<2x256x128x128xf32, #tpu.memory_space<hbm>>, %arg5: memref<256x128x128xf32, #tpu.memory_space<hbm>>, %arg6: memref<16xi32, #tpu.memory_space<vmem>>, %arg7: memref<2x128x128xf32, #tpu.memory_space<vmem>>, %arg8: memref<2x128x128xf32, #tpu.memory_space<vmem>>, %arg9: memref<2x128x128xf32, #tpu.memory_space<vmem>>, %arg10: memref<128x128xf32, #tpu.memory_space<vmem>>, %arg11: memref<8xi32, #tpu.memory_space<smem>>, %arg12: memref<2x!tpu.dma_semaphore, #tpu.memory_space<semaphore_mem>>, %arg13: memref<!tpu.dma_semaphore, #tpu.memory_space<semaphore_mem>>) attributes {dimension_semantics = [#tpu.dimension_semantics<core_parallel>, #tpu.dimension_semantics<subcore_parallel>], iteration_bounds = array<i64: 2, 16>, scalar_prefetch = 0 : i64, scratch_operands = 8 : i64, tpu.core_type = #tpu.core_type<sc_vector_subcore>, window_params = [{transform_indices = #map}, {transform_indices = #map1}, {transform_indices = #map2}, {transform_indices = #map}]} {
    %mul3A = arith.constant 2 : i32
    %mul3A_0 = arith.muli %arg1, %mul3A : i32
    %add3A = arith.addi %mul3A_0, %arg0 : i32
    %mul3A_1 = arith.constant 8 : i32
    %mul3A_2 = arith.muli %add3A, %mul3A_1 : i32
    %multiple_of3A = tpu.assume_multiple %mul3A_2, 8 : i32
    %mul3A_3 = arith.constant 2 : i32
    %mul3A_4 = arith.muli %multiple_of3A, %mul3A_3 : i32
    "tpu.region"() ({
      %run_scoped3A = tpu.sem_alloc : memref<!tpu.dma_semaphore, #tpu.memory_space<semaphore_mem>>
      %dma_start3A = tpu.memref_slice %arg3[%mul3A_4] : memref<512xi32, #tpu.memory_space<hbm>> -> memref<16xi32, #tpu.memory_space<hbm>>
      %dma_start3A_94 = tpu.memref_slice %arg3[%mul3A_4] : memref<512xi32, #tpu.memory_space<hbm>> -> memref<16xi32, #tpu.memory_space<hbm>>
      tpu.enqueue_dma source(%dma_start3A_94 : memref<16xi32, #tpu.memory_space<hbm>>) target(%arg6 : memref<16xi32, #tpu.memory_space<vmem>>) target_semaphore(%run_scoped3A : memref<!tpu.dma_semaphore, #tpu.memory_space<semaphore_mem>>)
      %dma_wait3A_95 = tpu.memref_slice %arg3[%mul3A_4] : memref<512xi32, #tpu.memory_space<hbm>> -> memref<16xi32, #tpu.memory_space<hbm>>
      %dma_wait3A_96 = tpu.memref_slice %arg3[%mul3A_4] : memref<512xi32, #tpu.memory_space<hbm>> -> memref<16xi32, #tpu.memory_space<hbm>>
      tpu.wait_dma2 semaphore(%run_scoped3A : memref<!tpu.dma_semaphore, #tpu.memory_space<semaphore_mem>>) src(%dma_wait3A_96 : memref<16xi32, #tpu.memory_space<hbm>>) dst(%arg6 : memref<16xi32, #tpu.memory_space<vmem>>)
      tpu.yield
    }) : () -> ()
    %get3A = arith.constant 0 : index
    %get3A_5 = tpu.vector_load %arg6[%get3A] {strides = array<i32>} : memref<16xi32, #tpu.memory_space<vmem>>, vector<16xi32>,
    %get3A_6 = vector.shape_cast %get3A_5 : vector<16xi32> to vector<16xi32>
    %slice3A = vector.extract_strided_slice %get3A_6 {offsets = [0], sizes = [1], strides = [1]} : vector<16xi32> to vector<1xi32>
    %squeeze3A = vector.extract %slice3A[0] : i32 from vector<1xi32>
    %swap3A = arith.constant 0 : i32
    %swap3A_7 = arith.index_cast %swap3A : i32 to index
    %swap3A_8 = memref.load %arg11[%swap3A_7] : memref<8xi32, #tpu.memory_space<smem>>
    memref.store %squeeze3A, %arg11[%swap3A_7] : memref<8xi32, #tpu.memory_space<smem>>
    %slice3A_9 = vector.extract_strided_slice %get3A_6 {offsets = [2], sizes = [1], strides = [1]} : vector<16xi32> to vector<1xi32>
    %squeeze3A_10 = vector.extract %slice3A_9[0] : i32 from vector<1xi32>
    %swap3A_11 = arith.constant 1 : i32
    %swap3A_12 = arith.index_cast %swap3A_11 : i32 to index
    %swap3A_13 = memref.load %arg11[%swap3A_12] : memref<8xi32, #tpu.memory_space<smem>>
    memref.store %squeeze3A_10, %arg11[%swap3A_12] : memref<8xi32, #tpu.memory_space<smem>>
    %slice3A_14 = vector.extract_strided_slice %get3A_6 {offsets = [4], sizes = [1], strides = [1]} : vector<16xi32> to vector<1xi32>
    %squeeze3A_15 = vector.extract %slice3A_14[0] : i32 from vector<1xi32>
    %swap3A_16 = arith.constant 2 : i32
    %swap3A_17 = arith.index_cast %swap3A_16 : i32 to index
    %swap3A_18 = memref.load %arg11[%swap3A_17] : memref<8xi32, #tpu.memory_space<smem>>
    memref.store %squeeze3A_15, %arg11[%swap3A_17] : memref<8xi32, #tpu.memory_space<smem>>
    %slice3A_19 = vector.extract_strided_slice %get3A_6 {offsets = [6], sizes = [1], strides = [1]} : vector<16xi32> to vector<1xi32>
    %squeeze3A_20 = vector.extract %slice3A_19[0] : i32 from vector<1xi32>
    %swap3A_21 = arith.constant 3 : i32
    %swap3A_22 = arith.index_cast %swap3A_21 : i32 to index
    %swap3A_23 = memref.load %arg11[%swap3A_22] : memref<8xi32, #tpu.memory_space<smem>>
    memref.store %squeeze3A_20, %arg11[%swap3A_22] : memref<8xi32, #tpu.memory_space<smem>>
    %slice3A_24 = vector.extract_strided_slice %get3A_6 {offsets = [8], sizes = [1], strides = [1]} : vector<16xi32> to vector<1xi32>
    %squeeze3A_25 = vector.extract %slice3A_24[0] : i32 from vector<1xi32>
    %swap3A_26 = arith.constant 4 : i32
    %swap3A_27 = arith.index_cast %swap3A_26 : i32 to index
    %swap3A_28 = memref.load %arg11[%swap3A_27] : memref<8xi32, #tpu.memory_space<smem>>
    memref.store %squeeze3A_25, %arg11[%swap3A_27] : memref<8xi32, #tpu.memory_space<smem>>
    %slice3A_29 = vector.extract_strided_slice %get3A_6 {offsets = [10], sizes = [1], strides = [1]} : vector<16xi32> to vector<1xi32>
    %squeeze3A_30 = vector.extract %slice3A_29[0] : i32 from vector<1xi32>
    %swap3A_31 = arith.constant 5 : i32
    %swap3A_32 = arith.index_cast %swap3A_31 : i32 to index
    %swap3A_33 = memref.load %arg11[%swap3A_32] : memref<8xi32, #tpu.memory_space<smem>>
    memref.store %squeeze3A_30, %arg11[%swap3A_32] : memref<8xi32, #tpu.memory_space<smem>>
    %slice3A_34 = vector.extract_strided_slice %get3A_6 {offsets = [12], sizes = [1], strides = [1]} : vector<16xi32> to vector<1xi32>
    %squeeze3A_35 = vector.extract %slice3A_34[0] : i32 from vector<1xi32>
    %swap3A_36 = arith.constant 6 : i32
    %swap3A_37 = arith.index_cast %swap3A_36 : i32 to index
    %swap3A_38 = memref.load %arg11[%swap3A_37] : memref<8xi32, #tpu.memory_space<smem>>
    memref.store %squeeze3A_35, %arg11[%swap3A_37] : memref<8xi32, #tpu.memory_space<smem>>
    %slice3A_39 = vector.extract_strided_slice %get3A_6 {offsets = [14], sizes = [1], strides = [1]} : vector<16xi32> to vector<1xi32>
    %squeeze3A_40 = vector.extract %slice3A_39[0] : i32 from vector<1xi32>
    %swap3A_41 = arith.constant 7 : i32
    %swap3A_42 = arith.index_cast %swap3A_41 : i32 to index
    %swap3A_43 = memref.load %arg11[%swap3A_42] : memref<8xi32, #tpu.memory_space<smem>>
    memref.store %squeeze3A_40, %arg11[%swap3A_42] : memref<8xi32, #tpu.memory_space<smem>>
    %add3A_44 = arith.constant 0 : i32
    %add3A_45 = arith.addi %multiple_of3A, %add3A_44 : i32
    %get3A_46 = arith.constant 0 : i32
    %get3A_47 = arith.index_cast %get3A_46 : i32 to index
    %get3A_48 = memref.load %arg11[%get3A_47] : memref<8xi32, #tpu.memory_space<smem>>
    %add3A_49 = arith.constant 15 : i32
    %add3A_50 = arith.addi %get3A_48, %add3A_49 : i32
    %and3A = arith.constant -16 : i32
    %and3A_51 = arith.andi %add3A_50, %and3A : i32
    %rem3A = arith.constant 0 : i32
    %rem3A_52 = arith.constant 2 : i32
    %rem3A_53 = arith.remsi %rem3A, %rem3A_52 : i32
    %and3A_54 = arith.constant 128 : i32
    %and3A_55 = arith.andi %and3A_51, %and3A_54 : i32
    %ne3A = arith.constant 0 : i32
    %ne3A_56 = arith.cmpi ne, %and3A_55, %ne3A : i32
    %convert_element_type3A = arith.extui %ne3A_56 : i1 to i32
    %cond3A = arith.constant 0 : i32
    %cond3A_57 = arith.cmpi ne, %convert_element_type3A, %cond3A : i32
    scf.if %cond3A_57 {
      %and3A_94 = arith.constant -256 : i32
      %and3A_95 = arith.andi %and3A_51, %and3A_94 : i32
      %multiple_of3A_96 = tpu.assume_multiple %and3A_95, 8 : i32
      %dma_start3A = arith.constant 0 : i32
      %dma_start3A_97 = tpu.memref_slice %arg7[%rem3A_53, %multiple_of3A_96, %dma_start3A] : memref<2x128x128xf32, #tpu.memory_space<vmem>> -> memref<1x128x128xf32, #tpu.memory_space<vmem>>
      %dma_start3A_98 = tpu.memref_squeeze %dma_start3A_97 : memref<1x128x128xf32, #tpu.memory_space<vmem>> -> memref<128x128xf32, #tpu.memory_space<vmem>>
      %dma_start3A_99 = arith.constant 0 : i32
      %dma_start3A_100 = tpu.memref_slice %arg2[%add3A_45, %multiple_of3A_96, %dma_start3A_99] : memref<256x128x128xf32, #tpu.memory_space<hbm>> -> memref<1x128x128xf32, #tpu.memory_space<hbm>>
      %dma_start3A_101 = tpu.memref_squeeze %dma_start3A_100 : memref<1x128x128xf32, #tpu.memory_space<hbm>> -> memref<128x128xf32, #tpu.memory_space<hbm>>
      %dma_start3A_102 = tpu.memref_slice %arg12[%rem3A_53] : memref<2x!tpu.dma_semaphore, #tpu.memory_space<semaphore_mem>> -> memref<1x!tpu.dma_semaphore, #tpu.memory_space<semaphore_mem>>
      %dma_start3A_103 = tpu.memref_squeeze %dma_start3A_102 : memref<1x!tpu.dma_semaphore, #tpu.memory_space<semaphore_mem>> -> memref<!tpu.dma_semaphore, #tpu.memory_space<semaphore_mem>>
      %dma_start3A_104 = arith.constant 0 : i32
      %dma_start3A_105 = tpu.memref_slice %arg7[%rem3A_53, %multiple_of3A_96, %dma_start3A_104] : memref<2x128x128xf32, #tpu.memory_space<vmem>> -> memref<1x128x128xf32, #tpu.memory_space<vmem>>
      %dma_start3A_106 = tpu.memref_squeeze %dma_start3A_105 : memref<1x128x128xf32, #tpu.memory_space<vmem>> -> memref<128x128xf32, #tpu.memory_space<vmem>>
      %dma_start3A_107 = arith.constant 0 : i32
      %dma_start3A_108 = tpu.memref_slice %arg2[%add3A_45, %multiple_of3A_96, %dma_start3A_107] : memref<256x128x128xf32, #tpu.memory_space<hbm>> -> memref<1x128x128xf32, #tpu.memory_space<hbm>>
      %dma_start3A_109 = tpu.memref_squeeze %dma_start3A_108 : memref<1x128x128xf32, #tpu.memory_space<hbm>> -> memref<128x128xf32, #tpu.memory_space<hbm>>
      tpu.enqueue_dma source(%dma_start3A_109 : memref<128x128xf32, #tpu.memory_space<hbm>>) target(%dma_start3A_106 : memref<128x128xf32, #tpu.memory_space<vmem>>) target_semaphore(%dma_start3A_103 : memref<!tpu.dma_semaphore, #tpu.memory_space<semaphore_mem>>)
      %dma_start3A_110 = arith.constant 0 : i32
      %dma_start3A_111 = arith.constant 0 : i32
      %dma_start3A_112 = tpu.memref_slice %arg8[%rem3A_53, %multiple_of3A_96, %dma_start3A_111] : memref<2x128x128xf32, #tpu.memory_space<vmem>> -> memref<1x128x128xf32, #tpu.memory_space<vmem>>
      %dma_start3A_113 = tpu.memref_squeeze %dma_start3A_112 : memref<1x128x128xf32, #tpu.memory_space<vmem>> -> memref<128x128xf32, #tpu.memory_space<vmem>>
      %dma_start3A_114 = arith.constant 0 : i32
      %dma_start3A_115 = tpu.memref_slice %arg4[%dma_start3A_110, %add3A_45, %multiple_of3A_96, %dma_start3A_114] : memref<2x256x128x128xf32, #tpu.memory_space<hbm>> -> memref<1x1x128x128xf32, #tpu.memory_space<hbm>>
      %dma_start3A_116 = tpu.memref_squeeze %dma_start3A_115 : memref<1x1x128x128xf32, #tpu.memory_space<hbm>> -> memref<128x128xf32, #tpu.memory_space<hbm>>
      %dma_start3A_117 = tpu.memref_slice %arg12[%rem3A_53] : memref<2x!tpu.dma_semaphore, #tpu.memory_space<semaphore_mem>> -> memref<1x!tpu.dma_semaphore, #tpu.memory_space<semaphore_mem>>
      %dma_start3A_118 = tpu.memref_squeeze %dma_start3A_117 : memref<1x!tpu.dma_semaphore, #tpu.memory_space<semaphore_mem>> -> memref<!tpu.dma_semaphore, #tpu.memory_space<semaphore_mem>>
      %dma_start3A_119 = arith.constant 0 : i32
      %dma_start3A_120 = tpu.memref_slice %arg8[%rem3A_53, %multiple_of3A_96, %dma_start3A_119] : memref<2x128x128xf32, #tpu.memory_space<vmem>> -> memref<1x128x128xf32, #tpu.memory_space<vmem>>
      %dma_start3A_121 = tpu.memref_squeeze %dma_start3A_120 : memref<1x128x128xf32, #tpu.memory_space<vmem>> -> memref<128x128xf32, #tpu.memory_space<vmem>>
      %dma_start3A_122 = arith.constant 0 : i32
      %dma_start3A_123 = tpu.memref_slice %arg4[%dma_start3A_110, %add3A_45, %multiple_of3A_96, %dma_start3A_122] : memref<2x256x128x128xf32, #tpu.memory_space<hbm>> -> memref<1x1x128x128xf32, #tpu.memory_space<hbm>>
      %dma_start3A_124 = tpu.memref_squeeze %dma_start3A_123 : memref<1x1x128x128xf32, #tpu.memory_space<hbm>> -> memref<128x128xf32, #tpu.memory_space<hbm>>
      tpu.enqueue_dma source(%dma_start3A_124 : memref<128x128xf32, #tpu.memory_space<hbm>>) target(%dma_start3A_121 : memref<128x128xf32, #tpu.memory_space<vmem>>) target_semaphore(%dma_start3A_118 : memref<!tpu.dma_semaphore, #tpu.memory_space<semaphore_mem>>)
      %dma_start3A_125 = arith.constant 1 : i32
      %dma_start3A_126 = arith.constant 0 : i32
      %dma_start3A_127 = tpu.memref_slice %arg9[%rem3A_53, %multiple_of3A_96, %dma_start3A_126] : memref<2x128x128xf32, #tpu.memory_space<vmem>> -> memref<1x128x128xf32, #tpu.memory_space<vmem>>
      %dma_start3A_128 = tpu.memref_squeeze %dma_start3A_127 : memref<1x128x128xf32, #tpu.memory_space<vmem>> -> memref<128x128xf32, #tpu.memory_space<vmem>>
      %dma_start3A_129 = arith.constant 0 : i32
      %dma_start3A_130 = tpu.memref_slice %arg4[%dma_start3A_125, %add3A_45, %multiple_of3A_96, %dma_start3A_129] : memref<2x256x128x128xf32, #tpu.memory_space<hbm>> -> memref<1x1x128x128xf32, #tpu.memory_space<hbm>>
      %dma_start3A_131 = tpu.memref_squeeze %dma_start3A_130 : memref<1x1x128x128xf32, #tpu.memory_space<hbm>> -> memref<128x128xf32, #tpu.memory_space<hbm>>
      %dma_start3A_132 = tpu.memref_slice %arg12[%rem3A_53] : memref<2x!tpu.dma_semaphore, #tpu.memory_space<semaphore_mem>> -> memref<1x!tpu.dma_semaphore, #tpu.memory_space<semaphore_mem>>
      %dma_start3A_133 = tpu.memref_squeeze %dma_start3A_132 : memref<1x!tpu.dma_semaphore, #tpu.memory_space<semaphore_mem>> -> memref<!tpu.dma_semaphore, #tpu.memory_space<semaphore_mem>>
      %dma_start3A_134 = arith.constant 0 : i32
      %dma_start3A_135 = tpu.memref_slice %arg9[%rem3A_53, %multiple_of3A_96, %dma_start3A_134] : memref<2x128x128xf32, #tpu.memory_space<vmem>> -> memref<1x128x128xf32, #tpu.memory_space<vmem>>
      %dma_start3A_136 = tpu.memref_squeeze %dma_start3A_135 : memref<1x128x128xf32, #tpu.memory_space<vmem>> -> memref<128x128xf32, #tpu.memory_space<vmem>>
      %dma_start3A_137 = arith.constant 0 : i32
      %dma_start3A_138 = tpu.memref_slice %arg4[%dma_start3A_125, %add3A_45, %multiple_of3A_96, %dma_start3A_137] : memref<2x256x128x128xf32, #tpu.memory_space<hbm>> -> memref<1x1x128x128xf32, #tpu.memory_space<hbm>>
      %dma_start3A_139 = tpu.memref_squeeze %dma_start3A_138 : memref<1x1x128x128xf32, #tpu.memory_space<hbm>> -> memref<128x128xf32, #tpu.memory_space<hbm>>
      tpu.enqueue_dma source(%dma_start3A_139 : memref<128x128xf32, #tpu.memory_space<hbm>>) target(%dma_start3A_136 : memref<128x128xf32, #tpu.memory_space<vmem>>) target_semaphore(%dma_start3A_133 : memref<!tpu.dma_semaphore, #tpu.memory_space<semaphore_mem>>)
    } else {
    }
    %and3A_58 = arith.constant 64 : i32
    %and3A_59 = arith.andi %and3A_51, %and3A_58 : i32
    %ne3A_60 = arith.constant 0 : i32
    %ne3A_61 = arith.cmpi ne, %and3A_59, %ne3A_60 : i32
    %convert_element_type3A_62 = arith.extui %ne3A_61 : i1 to i32
    %cond3A_63 = arith.constant 0 : i32
    %cond3A_64 = arith.cmpi ne, %convert_element_type3A_62, %cond3A_63 : i32
    scf.if %cond3A_64 {
      %and3A_94 = arith.constant -128 : i32
      %and3A_95 = arith.andi %and3A_51, %and3A_94 : i32
      %multiple_of3A_96 = tpu.assume_multiple %and3A_95, 8 : i32
      %dma_start3A = arith.constant 0 : i32
      %dma_start3A_97 = tpu.memref_slice %arg7[%rem3A_53, %multiple_of3A_96, %dma_start3A] : memref<2x128x128xf32, #tpu.memory_space<vmem>> -> memref<1x64x128xf32, #tpu.memory_space<vmem>>
      %dma_start3A_98 = tpu.memref_squeeze %dma_start3A_97 : memref<1x64x128xf32, #tpu.memory_space<vmem>> -> memref<64x128xf32, #tpu.memory_space<vmem>>
      %dma_start3A_99 = arith.constant 0 : i32
      %dma_start3A_100 = tpu.memref_slice %arg2[%add3A_45, %multiple_of3A_96, %dma_start3A_99] : memref<256x128x128xf32, #tpu.memory_space<hbm>> -> memref<1x64x128xf32, #tpu.memory_space<hbm>>
      %dma_start3A_101 = tpu.memref_squeeze %dma_start3A_100 : memref<1x64x128xf32, #tpu.memory_space<hbm>> -> memref<64x128xf32, #tpu.memory_space<hbm>>
      %dma_start3A_102 = tpu.memref_slice %arg12[%rem3A_53] : memref<2x!tpu.dma_semaphore, #tpu.memory_space<semaphore_mem>> -> memref<1x!tpu.dma_semaphore, #tpu.memory_space<semaphore_mem>>
      %dma_start3A_103 = tpu.memref_squeeze %dma_start3A_102 : memref<1x!tpu.dma_semaphore, #tpu.memory_space<semaphore_mem>> -> memref<!tpu.dma_semaphore, #tpu.memory_space<semaphore_mem>>
      %dma_start3A_104 = arith.constant 0 : i32
      %dma_start3A_105 = tpu.memref_slice %arg7[%rem3A_53, %multiple_of3A_96, %dma_start3A_104] : memref<2x128x128xf32, #tpu.memory_space<vmem>> -> memref<1x64x128xf32, #tpu.memory_space<vmem>>
      %dma_start3A_106 = tpu.memref_squeeze %dma_start3A_105 : memref<1x64x128xf32, #tpu.memory_space<vmem>> -> memref<64x128xf32, #tpu.memory_space<vmem>>
      %dma_start3A_107 = arith.constant 0 : i32
      %dma_start3A_108 = tpu.memref_slice %arg2[%add3A_45, %multiple_of3A_96, %dma_start3A_107] : memref<256x128x128xf32, #tpu.memory_space<hbm>> -> memref<1x64x128xf32, #tpu.memory_space<hbm>>
      %dma_start3A_109 = tpu.memref_squeeze %dma_start3A_108 : memref<1x64x128xf32, #tpu.memory_space<hbm>> -> memref<64x128xf32, #tpu.memory_space<hbm>>
      tpu.enqueue_dma source(%dma_start3A_109 : memref<64x128xf32, #tpu.memory_space<hbm>>) target(%dma_start3A_106 : memref<64x128xf32, #tpu.memory_space<vmem>>) target_semaphore(%dma_start3A_103 : memref<!tpu.dma_semaphore, #tpu.memory_space<semaphore_mem>>)
      %dma_start3A_110 = arith.constant 0 : i32
      %dma_start3A_111 = arith.constant 0 : i32
      %dma_start3A_112 = tpu.memref_slice %arg8[%rem3A_53, %multiple_of3A_96, %dma_start3A_111] : memref<2x128x128xf32, #tpu.memory_space<vmem>> -> memref<1x64x128xf32, #tpu.memory_space<vmem>>
      %dma_start3A_113 = tpu.memref_squeeze %dma_start3A_112 : memref<1x64x128xf32, #tpu.memory_space<vmem>> -> memref<64x128xf32, #tpu.memory_space<vmem>>
      %dma_start3A_114 = arith.constant 0 : i32
      %dma_start3A_115 = tpu.memref_slice %arg4[%dma_start3A_110, %add3A_45, %multiple_of3A_96, %dma_start3A_114] : memref<2x256x128x128xf32, #tpu.memory_space<hbm>> -> memref<1x1x64x128xf32, #tpu.memory_space<hbm>>
      %dma_start3A_116 = tpu.memref_squeeze %dma_start3A_115 : memref<1x1x64x128xf32, #tpu.memory_space<hbm>> -> memref<64x128xf32, #tpu.memory_space<hbm>>
      %dma_start3A_117 = tpu.memref_slice %arg12[%rem3A_53] : memref<2x!tpu.dma_semaphore, #tpu.memory_space<semaphore_mem>> -> memref<1x!tpu.dma_semaphore, #tpu.memory_space<semaphore_mem>>
      %dma_start3A_118 = tpu.memref_squeeze %dma_start3A_117 : memref<1x!tpu.dma_semaphore, #tpu.memory_space<semaphore_mem>> -> memref<!tpu.dma_semaphore, #tpu.memory_space<semaphore_mem>>
      %dma_start3A_119 = arith.constant 0 : i32
      %dma_start3A_120 = tpu.memref_slice %arg8[%rem3A_53, %multiple_of3A_96, %dma_start3A_119] : memref<2x128x128xf32, #tpu.memory_space<vmem>> -> memref<1x64x128xf32, #tpu.memory_space<vmem>>
      %dma_start3A_121 = tpu.memref_squeeze %dma_start3A_120 : memref<1x64x128xf32, #tpu.memory_space<vmem>> -> memref<64x128xf32, #tpu.memory_space<vmem>>
      %dma_start3A_122 = arith.constant 0 : i32
      %dma_start3A_123 = tpu.memref_slice %arg4[%dma_start3A_110, %add3A_45, %multiple_of3A_96, %dma_start3A_122] : memref<2x256x128x128xf32, #tpu.memory_space<hbm>> -> memref<1x1x64x128xf32, #tpu.memory_space<hbm>>
      %dma_start3A_124 = tpu.memref_squeeze %dma_start3A_123 : memref<1x1x64x128xf32, #tpu.memory_space<hbm>> -> memref<64x128xf32, #tpu.memory_space<hbm>>
      tpu.enqueue_dma source(%dma_start3A_124 : memref<64x128xf32, #tpu.memory_space<hbm>>) target(%dma_start3A_121 : memref<64x128xf32, #tpu.memory_space<vmem>>) target_semaphore(%dma_start3A_118 : memref<!tpu.dma_semaphore, #tpu.memory_space<semaphore_mem>>)
      %dma_start3A_125 = arith.constant 1 : i32
      %dma_start3A_126 = arith.constant 0 : i32
      %dma_start3A_127 = tpu.memref_slice %arg9[%rem3A_53, %multiple_of3A_96, %dma_start3A_126] : memref<2x128x128xf32, #tpu.memory_space<vmem>> -> memref<1x64x128xf32, #tpu.memory_space<vmem>>
      %dma_start3A_128 = tpu.memref_squeeze %dma_start3A_127 : memref<1x64x128xf32, #tpu.memory_space<vmem>> -> memref<64x128xf32, #tpu.memory_space<vmem>>
      %dma_start3A_129 = arith.constant 0 : i32
      %dma_start3A_130 = tpu.memref_slice %arg4[%dma_start3A_125, %add3A_45, %multiple_of3A_96, %dma_start3A_129] : memref<2x256x128x128xf32, #tpu.memory_space<hbm>> -> memref<1x1x64x128xf32, #tpu.memory_space<hbm>>
      %dma_start3A_131 = tpu.memref_squeeze %dma_start3A_130 : memref<1x1x64x128xf32, #tpu.memory_space<hbm>> -> memref<64x128xf32, #tpu.memory_space<hbm>>
      %dma_start3A_132 = tpu.memref_slice %arg12[%rem3A_53] : memref<2x!tpu.dma_semaphore, #tpu.memory_space<semaphore_mem>> -> memref<1x!tpu.dma_semaphore, #tpu.memory_space<semaphore_mem>>
      %dma_start3A_133 = tpu.memref_squeeze %dma_start3A_132 : memref<1x!tpu.dma_semaphore, #tpu.memory_space<semaphore_mem>> -> memref<!tpu.dma_semaphore, #tpu.memory_space<semaphore_mem>>
      %dma_start3A_134 = arith.constant 0 : i32
      %dma_start3A_135 = tpu.memref_slice %arg9[%rem3A_53, %multiple_of3A_96, %dma_start3A_134] : memref<2x128x128xf32, #tpu.memory_space<vmem>> -> memref<1x64x128xf32, #tpu.memory_space<vmem>>
      %dma_start3A_136 = tpu.memref_squeeze %dma_start3A_135 : memref<1x64x128xf32, #tpu.memory_space<vmem>> -> memref<64x128xf32, #tpu.memory_space<vmem>>
      %dma_start3A_137 = arith.constant 0 : i32
      %dma_start3A_138 = tpu.memref_slice %arg4[%dma_start3A_125, %add3A_45, %multiple_of3A_96, %dma_start3A_137] : memref<2x256x128x128xf32, #tpu.memory_space<hbm>> -> memref<1x1x64x128xf32, #tpu.memory_space<hbm>>
      %dma_start3A_139 = tpu.memref_squeeze %dma_start3A_138 : memref<1x1x64x128xf32, #tpu.memory_space<hbm>> -> memref<64x128xf32, #tpu.memory_space<hbm>>
      tpu.enqueue_dma source(%dma_start3A_139 : memref<64x128xf32, #tpu.memory_space<hbm>>) target(%dma_start3A_136 : memref<64x128xf32, #tpu.memory_space<vmem>>) target_semaphore(%dma_start3A_133 : memref<!tpu.dma_semaphore, #tpu.memory_space<semaphore_mem>>)
    } else {
    }
    %and3A_65 = arith.constant 32 : i32
    %and3A_66 = arith.andi %and3A_51, %and3A_65 : i32
    %ne3A_67 = arith.constant 0 : i32
    %ne3A_68 = arith.cmpi ne, %and3A_66, %ne3A_67 : i32
    %convert_element_type3A_69 = arith.extui %ne3A_68 : i1 to i32
    %cond3A_70 = arith.constant 0 : i32
    %cond3A_71 = arith.cmpi ne, %convert_element_type3A_69, %cond3A_70 : i32
    scf.if %cond3A_71 {
      %and3A_94 = arith.constant -64 : i32
      %and3A_95 = arith.andi %and3A_51, %and3A_94 : i32
      %multiple_of3A_96 = tpu.assume_multiple %and3A_95, 8 : i32
      %dma_start3A = arith.constant 0 : i32
      %dma_start3A_97 = tpu.memref_slice %arg7[%rem3A_53, %multiple_of3A_96, %dma_start3A] : memref<2x128x128xf32, #tpu.memory_space<vmem>> -> memref<1x32x128xf32, #tpu.memory_space<vmem>>
      %dma_start3A_98 = tpu.memref_squeeze %dma_start3A_97 : memref<1x32x128xf32, #tpu.memory_space<vmem>> -> memref<32x128xf32, #tpu.memory_space<vmem>>
      %dma_start3A_99 = arith.constant 0 : i32
      %dma_start3A_100 = tpu.memref_slice %arg2[%add3A_45, %multiple_of3A_96, %dma_start3A_99] : memref<256x128x128xf32, #tpu.memory_space<hbm>> -> memref<1x32x128xf32, #tpu.memory_space<hbm>>
      %dma_start3A_101 = tpu.memref_squeeze %dma_start3A_100 : memref<1x32x128xf32, #tpu.memory_space<hbm>> -> memref<32x128xf32, #tpu.memory_space<hbm>>
      %dma_start3A_102 = tpu.memref_slice %arg12[%rem3A_53] : memref<2x!tpu.dma_semaphore, #tpu.memory_space<semaphore_mem>> -> memref<1x!tpu.dma_semaphore, #tpu.memory_space<semaphore_mem>>
      %dma_start3A_103 = tpu.memref_squeeze %dma_start3A_102 : memref<1x!tpu.dma_semaphore, #tpu.memory_space<semaphore_mem>> -> memref<!tpu.dma_semaphore, #tpu.memory_space<semaphore_mem>>
      %dma_start3A_104 = arith.constant 0 : i32
      %dma_start3A_105 = tpu.memref_slice %arg7[%rem3A_53, %multiple_of3A_96, %dma_start3A_104] : memref<2x128x128xf32, #tpu.memory_space<vmem>> -> memref<1x32x128xf32, #tpu.memory_space<vmem>>
      %dma_start3A_106 = tpu.memref_squeeze %dma_start3A_105 : memref<1x32x128xf32, #tpu.memory_space<vmem>> -> memref<32x128xf32, #tpu.memory_space<vmem>>
      %dma_start3A_107 = arith.constant 0 : i32
      %dma_start3A_108 = tpu.memref_slice %arg2[%add3A_45, %multiple_of3A_96, %dma_start3A_107] : memref<256x128x128xf32, #tpu.memory_space<hbm>> -> memref<1x32x128xf32, #tpu.memory_space<hbm>>
      %dma_start3A_109 = tpu.memref_squeeze %dma_start3A_108 : memref<1x32x128xf32, #tpu.memory_space<hbm>> -> memref<32x128xf32, #tpu.memory_space<hbm>>
      tpu.enqueue_dma source(%dma_start3A_109 : memref<32x128xf32, #tpu.memory_space<hbm>>) target(%dma_start3A_106 : memref<32x128xf32, #tpu.memory_space<vmem>>) target_semaphore(%dma_start3A_103 : memref<!tpu.dma_semaphore, #tpu.memory_space<semaphore_mem>>)
      %dma_start3A_110 = arith.constant 0 : i32
      %dma_start3A_111 = arith.constant 0 : i32
      %dma_start3A_112 = tpu.memref_slice %arg8[%rem3A_53, %multiple_of3A_96, %dma_start3A_111] : memref<2x128x128xf32, #tpu.memory_space<vmem>> -> memref<1x32x128xf32, #tpu.memory_space<vmem>>
      %dma_start3A_113 = tpu.memref_squeeze %dma_start3A_112 : memref<1x32x128xf32, #tpu.memory_space<vmem>> -> memref<32x128xf32, #tpu.memory_space<vmem>>
      %dma_start3A_114 = arith.constant 0 : i32
      %dma_start3A_115 = tpu.memref_slice %arg4[%dma_start3A_110, %add3A_45, %multiple_of3A_96, %dma_start3A_114] : memref<2x256x128x128xf32, #tpu.memory_space<hbm>> -> memref<1x1x32x128xf32, #tpu.memory_space<hbm>>
      %dma_start3A_116 = tpu.memref_squeeze %dma_start3A_115 : memref<1x1x32x128xf32, #tpu.memory_space<hbm>> -> memref<32x128xf32, #tpu.memory_space<hbm>>
      %dma_start3A_117 = tpu.memref_slice %arg12[%rem3A_53] : memref<2x!tpu.dma_semaphore, #tpu.memory_space<semaphore_mem>> -> memref<1x!tpu.dma_semaphore, #tpu.memory_space<semaphore_mem>>
      %dma_start3A_118 = tpu.memref_squeeze %dma_start3A_117 : memref<1x!tpu.dma_semaphore, #tpu.memory_space<semaphore_mem>> -> memref<!tpu.dma_semaphore, #tpu.memory_space<semaphore_mem>>
      %dma_start3A_119 = arith.constant 0 : i32
      %dma_start3A_120 = tpu.memref_slice %arg8[%rem3A_53, %multiple_of3A_96, %dma_start3A_119] : memref<2x128x128xf32, #tpu.memory_space<vmem>> -> memref<1x32x128xf32, #tpu.memory_space<vmem>>
      %dma_start3A_121 = tpu.memref_squeeze %dma_start3A_120 : memref<1x32x128xf32, #tpu.memory_space<vmem>> -> memref<32x128xf32, #tpu.memory_space<vmem>>
      %dma_start3A_122 = arith.constant 0 : i32
      %dma_start3A_123 = tpu.memref_slice %arg4[%dma_start3A_110, %add3A_45, %multiple_of3A_96, %dma_start3A_122] : memref<2x256x128x128xf32, #tpu.memory_space<hbm>> -> memref<1x1x32x128xf32, #tpu.memory_space<hbm>>
      %dma_start3A_124 = tpu.memref_squeeze %dma_start3A_123 : memref<1x1x32x128xf32, #tpu.memory_space<hbm>> -> memref<32x128xf32, #tpu.memory_space<hbm>>
      tpu.enqueue_dma source(%dma_start3A_124 : memref<32x128xf32, #tpu.memory_space<hbm>>) target(%dma_start3A_121 : memref<32x128xf32, #tpu.memory_space<vmem>>) target_semaphore(%dma_start3A_118 : memref<!tpu.dma_semaphore, #tpu.memory_space<semaphore_mem>>)
      %dma_start3A_125 = arith.constant 1 : i32
      %dma_start3A_126 = arith.constant 0 : i32
      %dma_start3A_127 = tpu.memref_slice %arg9[%rem3A_53, %multiple_of3A_96, %dma_start3A_126] : memref<2x128x128xf32, #tpu.memory_space<vmem>> -> memref<1x32x128xf32, #tpu.memory_space<vmem>>
      %dma_start3A_128 = tpu.memref_squeeze %dma_start3A_127 : memref<1x32x128xf32, #tpu.memory_space<vmem>> -> memref<32x128xf32, #tpu.memory_space<vmem>>
      %dma_start3A_129 = arith.constant 0 : i32
      %dma_start3A_130 = tpu.memref_slice %arg4[%dma_start3A_125, %add3A_45, %multiple_of3A_96, %dma_start3A_129] : memref<2x256x128x128xf32, #tpu.memory_space<hbm>> -> memref<1x1x32x128xf32, #tpu.memory_space<hbm>>
      %dma_start3A_131 = tpu.memref_squeeze %dma_start3A_130 : memref<1x1x32x128xf32, #tpu.memory_space<hbm>> -> memref<32x128xf32, #tpu.memory_space<hbm>>
      %dma_start3A_132 = tpu.memref_slice %arg12[%rem3A_53] : memref<2x!tpu.dma_semaphore, #tpu.memory_space<semaphore_mem>> -> memref<1x!tpu.dma_semaphore, #tpu.memory_space<semaphore_mem>>
      %dma_start3A_133 = tpu.memref_squeeze %dma_start3A_132 : memref<1x!tpu.dma_semaphore, #tpu.memory_space<semaphore_mem>> -> memref<!tpu.dma_semaphore, #tpu.memory_space<semaphore_mem>>
      %dma_start3A_134 = arith.constant 0 : i32
      %dma_start3A_135 = tpu.memref_slice %arg9[%rem3A_53, %multiple_of3A_96, %dma_start3A_134] : memref<2x128x128xf32, #tpu.memory_space<vmem>> -> memref<1x32x128xf32, #tpu.memory_space<vmem>>
      %dma_start3A_136 = tpu.memref_squeeze %dma_start3A_135 : memref<1x32x128xf32, #tpu.memory_space<vmem>> -> memref<32x128xf32, #tpu.memory_space<vmem>>
      %dma_start3A_137 = arith.constant 0 : i32
      %dma_start3A_138 = tpu.memref_slice %arg4[%dma_start3A_125, %add3A_45, %multiple_of3A_96, %dma_start3A_137] : memref<2x256x128x128xf32, #tpu.memory_space<hbm>> -> memref<1x1x32x128xf32, #tpu.memory_space<hbm>>
      %dma_start3A_139 = tpu.memref_squeeze %dma_start3A_138 : memref<1x1x32x128xf32, #tpu.memory_space<hbm>> -> memref<32x128xf32, #tpu.memory_space<hbm>>
      tpu.enqueue_dma source(%dma_start3A_139 : memref<32x128xf32, #tpu.memory_space<hbm>>) target(%dma_start3A_136 : memref<32x128xf32, #tpu.memory_space<vmem>>) target_semaphore(%dma_start3A_133 : memref<!tpu.dma_semaphore, #tpu.memory_space<semaphore_mem>>)
    } else {
    }
    %and3A_72 = arith.constant 16 : i32
    %and3A_73 = arith.andi %and3A_51, %and3A_72 : i32
    %ne3A_74 = arith.constant 0 : i32
    %ne3A_75 = arith.cmpi ne, %and3A_73, %ne3A_74 : i32
    %convert_element_type3A_76 = arith.extui %ne3A_75 : i1 to i32
    %cond3A_77 = arith.constant 0 : i32
    %cond3A_78 = arith.cmpi ne, %convert_element_type3A_76, %cond3A_77 : i32
    scf.if %cond3A_78 {
      %and3A_94 = arith.constant -32 : i32
      %and3A_95 = arith.andi %and3A_51, %and3A_94 : i32
      %multiple_of3A_96 = tpu.assume_multiple %and3A_95, 8 : i32
      %dma_start3A = arith.constant 0 : i32
      %dma_start3A_97 = tpu.memref_slice %arg7[%rem3A_53, %multiple_of3A_96, %dma_start3A] : memref<2x128x128xf32, #tpu.memory_space<vmem>> -> memref<1x16x128xf32, #tpu.memory_space<vmem>>
      %dma_start3A_98 = tpu.memref_squeeze %dma_start3A_97 : memref<1x16x128xf32, #tpu.memory_space<vmem>> -> memref<16x128xf32, #tpu.memory_space<vmem>>
      %dma_start3A_99 = arith.constant 0 : i32
      %dma_start3A_100 = tpu.memref_slice %arg2[%add3A_45, %multiple_of3A_96, %dma_start3A_99] : memref<256x128x128xf32, #tpu.memory_space<hbm>> -> memref<1x16x128xf32, #tpu.memory_space<hbm>>
      %dma_start3A_101 = tpu.memref_squeeze %dma_start3A_100 : memref<1x16x128xf32, #tpu.memory_space<hbm>> -> memref<16x128xf32, #tpu.memory_space<hbm>>
      %dma_start3A_102 = tpu.memref_slice %arg12[%rem3A_53] : memref<2x!tpu.dma_semaphore, #tpu.memory_space<semaphore_mem>> -> memref<1x!tpu.dma_semaphore, #tpu.memory_space<semaphore_mem>>
      %dma_start3A_103 = tpu.memref_squeeze %dma_start3A_102 : memref<1x!tpu.dma_semaphore, #tpu.memory_space<semaphore_mem>> -> memref<!tpu.dma_semaphore, #tpu.memory_space<semaphore_mem>>
      %dma_start3A_104 = arith.constant 0 : i32
      %dma_start3A_105 = tpu.memref_slice %arg7[%rem3A_53, %multiple_of3A_96, %dma_start3A_104] : memref<2x128x128xf32, #tpu.memory_space<vmem>> -> memref<1x16x128xf32, #tpu.memory_space<vmem>>
      %dma_start3A_106 = tpu.memref_squeeze %dma_start3A_105 : memref<1x16x128xf32, #tpu.memory_space<vmem>> -> memref<16x128xf32, #tpu.memory_space<vmem>>
      %dma_start3A_107 = arith.constant 0 : i32
      %dma_start3A_108 = tpu.memref_slice %arg2[%add3A_45, %multiple_of3A_96, %dma_start3A_107] : memref<256x128x128xf32, #tpu.memory_space<hbm>> -> memref<1x16x128xf32, #tpu.memory_space<hbm>>
      %dma_start3A_109 = tpu.memref_squeeze %dma_start3A_108 : memref<1x16x128xf32, #tpu.memory_space<hbm>> -> memref<16x128xf32, #tpu.memory_space<hbm>>
      tpu.enqueue_dma source(%dma_start3A_109 : memref<16x128xf32, #tpu.memory_space<hbm>>) target(%dma_start3A_106 : memref<16x128xf32, #tpu.memory_space<vmem>>) target_semaphore(%dma_start3A_103 : memref<!tpu.dma_semaphore, #tpu.memory_space<semaphore_mem>>)
      %dma_start3A_110 = arith.constant 0 : i32
      %dma_start3A_111 = arith.constant 0 : i32
      %dma_start3A_112 = tpu.memref_slice %arg8[%rem3A_53, %multiple_of3A_96, %dma_start3A_111] : memref<2x128x128xf32, #tpu.memory_space<vmem>> -> memref<1x16x128xf32, #tpu.memory_space<vmem>>
      %dma_start3A_113 = tpu.memref_squeeze %dma_start3A_112 : memref<1x16x128xf32, #tpu.memory_space<vmem>> -> memref<16x128xf32, #tpu.memory_space<vmem>>
      %dma_start3A_114 = arith.constant 0 : i32
      %dma_start3A_115 = tpu.memref_slice %arg4[%dma_start3A_110, %add3A_45, %multiple_of3A_96, %dma_start3A_114] : memref<2x256x128x128xf32, #tpu.memory_space<hbm>> -> memref<1x1x16x128xf32, #tpu.memory_space<hbm>>
      %dma_start3A_116 = tpu.memref_squeeze %dma_start3A_115 : memref<1x1x16x128xf32, #tpu.memory_space<hbm>> -> memref<16x128xf32, #tpu.memory_space<hbm>>
      %dma_start3A_117 = tpu.memref_slice %arg12[%rem3A_53] : memref<2x!tpu.dma_semaphore, #tpu.memory_space<semaphore_mem>> -> memref<1x!tpu.dma_semaphore, #tpu.memory_space<semaphore_mem>>
      %dma_start3A_118 = tpu.memref_squeeze %dma_start3A_117 : memref<1x!tpu.dma_semaphore, #tpu.memory_space<semaphore_mem>> -> memref<!tpu.dma_semaphore, #tpu.memory_space<semaphore_mem>>
      %dma_start3A_119 = arith.constant 0 : i32
      %dma_start3A_120 = tpu.memref_slice %arg8[%rem3A_53, %multiple_of3A_96, %dma_start3A_119] : memref<2x128x128xf32, #tpu.memory_space<vmem>> -> memref<1x16x128xf32, #tpu.memory_space<vmem>>
      %dma_start3A_121 = tpu.memref_squeeze %dma_start3A_120 : memref<1x16x128xf32, #tpu.memory_space<vmem>> -> memref<16x128xf32, #tpu.memory_space<vmem>>
      %dma_start3A_122 = arith.constant 0 : i32
      %dma_start3A_123 = tpu.memref_slice %arg4[%dma_start3A_110, %add3A_45, %multiple_of3A_96, %dma_start3A_122] : memref<2x256x128x128xf32, #tpu.memory_space<hbm>> -> memref<1x1x16x128xf32, #tpu.memory_space<hbm>>
      %dma_start3A_124 = tpu.memref_squeeze %dma_start3A_123 : memref<1x1x16x128xf32, #tpu.memory_space<hbm>> -> memref<16x128xf32, #tpu.memory_space<hbm>>
      tpu.enqueue_dma source(%dma_start3A_124 : memref<16x128xf32, #tpu.memory_space<hbm>>) target(%dma_start3A_121 : memref<16x128xf32, #tpu.memory_space<vmem>>) target_semaphore(%dma_start3A_118 : memref<!tpu.dma_semaphore, #tpu.memory_space<semaphore_mem>>)
      %dma_start3A_125 = arith.constant 1 : i32
      %dma_start3A_126 = arith.constant 0 : i32
      %dma_start3A_127 = tpu.memref_slice %arg9[%rem3A_53, %multiple_of3A_96, %dma_start3A_126] : memref<2x128x128xf32, #tpu.memory_space<vmem>> -> memref<1x16x128xf32, #tpu.memory_space<vmem>>
      %dma_start3A_128 = tpu.memref_squeeze %dma_start3A_127 : memref<1x16x128xf32, #tpu.memory_space<vmem>> -> memref<16x128xf32, #tpu.memory_space<vmem>>
      %dma_start3A_129 = arith.constant 0 : i32
      %dma_start3A_130 = tpu.memref_slice %arg4[%dma_start3A_125, %add3A_45, %multiple_of3A_96, %dma_start3A_129] : memref<2x256x128x128xf32, #tpu.memory_space<hbm>> -> memref<1x1x16x128xf32, #tpu.memory_space<hbm>>
      %dma_start3A_131 = tpu.memref_squeeze %dma_start3A_130 : memref<1x1x16x128xf32, #tpu.memory_space<hbm>> -> memref<16x128xf32, #tpu.memory_space<hbm>>
      %dma_start3A_132 = tpu.memref_slice %arg12[%rem3A_53] : memref<2x!tpu.dma_semaphore, #tpu.memory_space<semaphore_mem>> -> memref<1x!tpu.dma_semaphore, #tpu.memory_space<semaphore_mem>>
      %dma_start3A_133 = tpu.memref_squeeze %dma_start3A_132 : memref<1x!tpu.dma_semaphore, #tpu.memory_space<semaphore_mem>> -> memref<!tpu.dma_semaphore, #tpu.memory_space<semaphore_mem>>
      %dma_start3A_134 = arith.constant 0 : i32
      %dma_start3A_135 = tpu.memref_slice %arg9[%rem3A_53, %multiple_of3A_96, %dma_start3A_134] : memref<2x128x128xf32, #tpu.memory_space<vmem>> -> memref<1x16x128xf32, #tpu.memory_space<vmem>>
      %dma_start3A_136 = tpu.memref_squeeze %dma_start3A_135 : memref<1x16x128xf32, #tpu.memory_space<vmem>> -> memref<16x128xf32, #tpu.memory_space<vmem>>
      %dma_start3A_137 = arith.constant 0 : i32
      %dma_start3A_138 = tpu.memref_slice %arg4[%dma_start3A_125, %add3A_45, %multiple_of3A_96, %dma_start3A_137] : memref<2x256x128x128xf32, #tpu.memory_space<hbm>> -> memref<1x1x16x128xf32, #tpu.memory_space<hbm>>
      %dma_start3A_139 = tpu.memref_squeeze %dma_start3A_138 : memref<1x1x16x128xf32, #tpu.memory_space<hbm>> -> memref<16x128xf32, #tpu.memory_space<hbm>>
      tpu.enqueue_dma source(%dma_start3A_139 : memref<16x128xf32, #tpu.memory_space<hbm>>) target(%dma_start3A_136 : memref<16x128xf32, #tpu.memory_space<vmem>>) target_semaphore(%dma_start3A_133 : memref<!tpu.dma_semaphore, #tpu.memory_space<semaphore_mem>>)
    } else {
    }
    %scan3A = arith.constant 0 : i32
    %scan3A_79 = arith.constant 0 : i32
    %scan3A_80 = arith.constant 8 : i32
    %scan3A_81 = arith.addi %scan3A_79, %scan3A_80 : i32
    %scan3A_82 = arith.constant 1 : i32
    %scan3A_83 = scf.for %scan3A_94 = %scan3A_79 to %scan3A_81 step %scan3A_82 iter_args(%scan3A_95 = %scan3A) -> (i32)  : i32 {
      %add3A_96 = arith.constant 1 : i32
      %add3A_97 = arith.addi %scan3A_94, %add3A_96 : i32
      %lt3A = arith.constant 8 : i32
      %lt3A_98 = arith.cmpi slt, %add3A_97, %lt3A : i32
      %convert_element_type3A_99 = arith.extui %lt3A_98 : i1 to i32
      %cond3A_100 = arith.constant 0 : i32
      %cond3A_101 = arith.cmpi ne, %convert_element_type3A_99, %cond3A_100 : i32
      scf.if %cond3A_101 {
        %add3A_177 = arith.constant 1 : i32
        %add3A_178 = arith.addi %scan3A_94, %add3A_177 : i32
        %add3A_179 = arith.addi %multiple_of3A, %add3A_178 : i32
        %get3A_180 = arith.index_cast %add3A_178 : i32 to index
        %get3A_181 = memref.load %arg11[%get3A_180] : memref<8xi32, #tpu.memory_space<smem>>
        %add3A_182 = arith.constant 15 : i32
        %add3A_183 = arith.addi %get3A_181, %add3A_182 : i32
        %and3A_184 = arith.constant -16 : i32
        %and3A_185 = arith.andi %add3A_183, %and3A_184 : i32
        %rem3A_186 = arith.constant 2 : i32
        %rem3A_187 = arith.remsi %add3A_178, %rem3A_186 : i32
        %and3A_188 = arith.constant 128 : i32
        %and3A_189 = arith.andi %and3A_185, %and3A_188 : i32
        %ne3A_190 = arith.constant 0 : i32
        %ne3A_191 = arith.cmpi ne, %and3A_189, %ne3A_190 : i32
        %convert_element_type3A_192 = arith.extui %ne3A_191 : i1 to i32
        %cond3A_193 = arith.constant 0 : i32
        %cond3A_194 = arith.cmpi ne, %convert_element_type3A_192, %cond3A_193 : i32
        scf.if %cond3A_194 {
          %and3A_216 = arith.constant -256 : i32
          %and3A_217 = arith.andi %and3A_185, %and3A_216 : i32
          %multiple_of3A_218 = tpu.assume_multiple %and3A_217, 8 : i32
          %dma_start3A_219 = arith.constant 0 : i32
          %dma_start3A_220 = tpu.memref_slice %arg7[%rem3A_187, %multiple_of3A_218, %dma_start3A_219] : memref<2x128x128xf32, #tpu.memory_space<vmem>> -> memref<1x128x128xf32, #tpu.memory_space<vmem>>
          %dma_start3A_221 = tpu.memref_squeeze %dma_start3A_220 : memref<1x128x128xf32, #tpu.memory_space<vmem>> -> memref<128x128xf32, #tpu.memory_space<vmem>>
          %dma_start3A_222 = arith.constant 0 : i32
          %dma_start3A_223 = tpu.memref_slice %arg2[%add3A_179, %multiple_of3A_218, %dma_start3A_222] : memref<256x128x128xf32, #tpu.memory_space<hbm>> -> memref<1x128x128xf32, #tpu.memory_space<hbm>>
          %dma_start3A_224 = tpu.memref_squeeze %dma_start3A_223 : memref<1x128x128xf32, #tpu.memory_space<hbm>> -> memref<128x128xf32, #tpu.memory_space<hbm>>
          %dma_start3A_225 = tpu.memref_slice %arg12[%rem3A_187] : memref<2x!tpu.dma_semaphore, #tpu.memory_space<semaphore_mem>> -> memref<1x!tpu.dma_semaphore, #tpu.memory_space<semaphore_mem>>
          %dma_start3A_226 = tpu.memref_squeeze %dma_start3A_225 : memref<1x!tpu.dma_semaphore, #tpu.memory_space<semaphore_mem>> -> memref<!tpu.dma_semaphore, #tpu.memory_space<semaphore_mem>>
          %dma_start3A_227 = arith.constant 0 : i32
          %dma_start3A_228 = tpu.memref_slice %arg7[%rem3A_187, %multiple_of3A_218, %dma_start3A_227] : memref<2x128x128xf32, #tpu.memory_space<vmem>> -> memref<1x128x128xf32, #tpu.memory_space<vmem>>
          %dma_start3A_229 = tpu.memref_squeeze %dma_start3A_228 : memref<1x128x128xf32, #tpu.memory_space<vmem>> -> memref<128x128xf32, #tpu.memory_space<vmem>>
          %dma_start3A_230 = arith.constant 0 : i32
          %dma_start3A_231 = tpu.memref_slice %arg2[%add3A_179, %multiple_of3A_218, %dma_start3A_230] : memref<256x128x128xf32, #tpu.memory_space<hbm>> -> memref<1x128x128xf32, #tpu.memory_space<hbm>>
          %dma_start3A_232 = tpu.memref_squeeze %dma_start3A_231 : memref<1x128x128xf32, #tpu.memory_space<hbm>> -> memref<128x128xf32, #tpu.memory_space<hbm>>
          tpu.enqueue_dma source(%dma_start3A_232 : memref<128x128xf32, #tpu.memory_space<hbm>>) target(%dma_start3A_229 : memref<128x128xf32, #tpu.memory_space<vmem>>) target_semaphore(%dma_start3A_226 : memref<!tpu.dma_semaphore, #tpu.memory_space<semaphore_mem>>)
          %dma_start3A_233 = arith.constant 0 : i32
          %dma_start3A_234 = arith.constant 0 : i32
          %dma_start3A_235 = tpu.memref_slice %arg8[%rem3A_187, %multiple_of3A_218, %dma_start3A_234] : memref<2x128x128xf32, #tpu.memory_space<vmem>> -> memref<1x128x128xf32, #tpu.memory_space<vmem>>
          %dma_start3A_236 = tpu.memref_squeeze %dma_start3A_235 : memref<1x128x128xf32, #tpu.memory_space<vmem>> -> memref<128x128xf32, #tpu.memory_space<vmem>>
          %dma_start3A_237 = arith.constant 0 : i32
          %dma_start3A_238 = tpu.memref_slice %arg4[%dma_start3A_233, %add3A_179, %multiple_of3A_218, %dma_start3A_237] : memref<2x256x128x128xf32, #tpu.memory_space<hbm>> -> memref<1x1x128x128xf32, #tpu.memory_space<hbm>>
          %dma_start3A_239 = tpu.memref_squeeze %dma_start3A_238 : memref<1x1x128x128xf32, #tpu.memory_space<hbm>> -> memref<128x128xf32, #tpu.memory_space<hbm>>
          %dma_start3A_240 = tpu.memref_slice %arg12[%rem3A_187] : memref<2x!tpu.dma_semaphore, #tpu.memory_space<semaphore_mem>> -> memref<1x!tpu.dma_semaphore, #tpu.memory_space<semaphore_mem>>
          %dma_start3A_241 = tpu.memref_squeeze %dma_start3A_240 : memref<1x!tpu.dma_semaphore, #tpu.memory_space<semaphore_mem>> -> memref<!tpu.dma_semaphore, #tpu.memory_space<semaphore_mem>>
          %dma_start3A_242 = arith.constant 0 : i32
          %dma_start3A_243 = tpu.memref_slice %arg8[%rem3A_187, %multiple_of3A_218, %dma_start3A_242] : memref<2x128x128xf32, #tpu.memory_space<vmem>> -> memref<1x128x128xf32, #tpu.memory_space<vmem>>
          %dma_start3A_244 = tpu.memref_squeeze %dma_start3A_243 : memref<1x128x128xf32, #tpu.memory_space<vmem>> -> memref<128x128xf32, #tpu.memory_space<vmem>>
          %dma_start3A_245 = arith.constant 0 : i32
          %dma_start3A_246 = tpu.memref_slice %arg4[%dma_start3A_233, %add3A_179, %multiple_of3A_218, %dma_start3A_245] : memref<2x256x128x128xf32, #tpu.memory_space<hbm>> -> memref<1x1x128x128xf32, #tpu.memory_space<hbm>>
          %dma_start3A_247 = tpu.memref_squeeze %dma_start3A_246 : memref<1x1x128x128xf32, #tpu.memory_space<hbm>> -> memref<128x128xf32, #tpu.memory_space<hbm>>
          tpu.enqueue_dma source(%dma_start3A_247 : memref<128x128xf32, #tpu.memory_space<hbm>>) target(%dma_start3A_244 : memref<128x128xf32, #tpu.memory_space<vmem>>) target_semaphore(%dma_start3A_241 : memref<!tpu.dma_semaphore, #tpu.memory_space<semaphore_mem>>)
          %dma_start3A_248 = arith.constant 1 : i32
          %dma_start3A_249 = arith.constant 0 : i32
          %dma_start3A_250 = tpu.memref_slice %arg9[%rem3A_187, %multiple_of3A_218, %dma_start3A_249] : memref<2x128x128xf32, #tpu.memory_space<vmem>> -> memref<1x128x128xf32, #tpu.memory_space<vmem>>
          %dma_start3A_251 = tpu.memref_squeeze %dma_start3A_250 : memref<1x128x128xf32, #tpu.memory_space<vmem>> -> memref<128x128xf32, #tpu.memory_space<vmem>>
          %dma_start3A_252 = arith.constant 0 : i32
          %dma_start3A_253 = tpu.memref_slice %arg4[%dma_start3A_248, %add3A_179, %multiple_of3A_218, %dma_start3A_252] : memref<2x256x128x128xf32, #tpu.memory_space<hbm>> -> memref<1x1x128x128xf32, #tpu.memory_space<hbm>>
          %dma_start3A_254 = tpu.memref_squeeze %dma_start3A_253 : memref<1x1x128x128xf32, #tpu.memory_space<hbm>> -> memref<128x128xf32, #tpu.memory_space<hbm>>
          %dma_start3A_255 = tpu.memref_slice %arg12[%rem3A_187] : memref<2x!tpu.dma_semaphore, #tpu.memory_space<semaphore_mem>> -> memref<1x!tpu.dma_semaphore, #tpu.memory_space<semaphore_mem>>
          %dma_start3A_256 = tpu.memref_squeeze %dma_start3A_255 : memref<1x!tpu.dma_semaphore, #tpu.memory_space<semaphore_mem>> -> memref<!tpu.dma_semaphore, #tpu.memory_space<semaphore_mem>>
          %dma_start3A_257 = arith.constant 0 : i32
          %dma_start3A_258 = tpu.memref_slice %arg9[%rem3A_187, %multiple_of3A_218, %dma_start3A_257] : memref<2x128x128xf32, #tpu.memory_space<vmem>> -> memref<1x128x128xf32, #tpu.memory_space<vmem>>
          %dma_start3A_259 = tpu.memref_squeeze %dma_start3A_258 : memref<1x128x128xf32, #tpu.memory_space<vmem>> -> memref<128x128xf32, #tpu.memory_space<vmem>>
          %dma_start3A_260 = arith.constant 0 : i32
          %dma_start3A_261 = tpu.memref_slice %arg4[%dma_start3A_248, %add3A_179, %multiple_of3A_218, %dma_start3A_260] : memref<2x256x128x128xf32, #tpu.memory_space<hbm>> -> memref<1x1x128x128xf32, #tpu.memory_space<hbm>>
          %dma_start3A_262 = tpu.memref_squeeze %dma_start3A_261 : memref<1x1x128x128xf32, #tpu.memory_space<hbm>> -> memref<128x128xf32, #tpu.memory_space<hbm>>
          tpu.enqueue_dma source(%dma_start3A_262 : memref<128x128xf32, #tpu.memory_space<hbm>>) target(%dma_start3A_259 : memref<128x128xf32, #tpu.memory_space<vmem>>) target_semaphore(%dma_start3A_256 : memref<!tpu.dma_semaphore, #tpu.memory_space<semaphore_mem>>)
        } else {
        }
        %and3A_195 = arith.constant 64 : i32
        %and3A_196 = arith.andi %and3A_185, %and3A_195 : i32
        %ne3A_197 = arith.constant 0 : i32
        %ne3A_198 = arith.cmpi ne, %and3A_196, %ne3A_197 : i32
        %convert_element_type3A_199 = arith.extui %ne3A_198 : i1 to i32
        %cond3A_200 = arith.constant 0 : i32
        %cond3A_201 = arith.cmpi ne, %convert_element_type3A_199, %cond3A_200 : i32
        scf.if %cond3A_201 {
          %and3A_216 = arith.constant -128 : i32
          %and3A_217 = arith.andi %and3A_185, %and3A_216 : i32
          %multiple_of3A_218 = tpu.assume_multiple %and3A_217, 8 : i32
          %dma_start3A_219 = arith.constant 0 : i32
          %dma_start3A_220 = tpu.memref_slice %arg7[%rem3A_187, %multiple_of3A_218, %dma_start3A_219] : memref<2x128x128xf32, #tpu.memory_space<vmem>> -> memref<1x64x128xf32, #tpu.memory_space<vmem>>
          %dma_start3A_221 = tpu.memref_squeeze %dma_start3A_220 : memref<1x64x128xf32, #tpu.memory_space<vmem>> -> memref<64x128xf32, #tpu.memory_space<vmem>>
          %dma_start3A_222 = arith.constant 0 : i32
          %dma_start3A_223 = tpu.memref_slice %arg2[%add3A_179, %multiple_of3A_218, %dma_start3A_222] : memref<256x128x128xf32, #tpu.memory_space<hbm>> -> memref<1x64x128xf32, #tpu.memory_space<hbm>>
          %dma_start3A_224 = tpu.memref_squeeze %dma_start3A_223 : memref<1x64x128xf32, #tpu.memory_space<hbm>> -> memref<64x128xf32, #tpu.memory_space<hbm>>
          %dma_start3A_225 = tpu.memref_slice %arg12[%rem3A_187] : memref<2x!tpu.dma_semaphore, #tpu.memory_space<semaphore_mem>> -> memref<1x!tpu.dma_semaphore, #tpu.memory_space<semaphore_mem>>
          %dma_start3A_226 = tpu.memref_squeeze %dma_start3A_225 : memref<1x!tpu.dma_semaphore, #tpu.memory_space<semaphore_mem>> -> memref<!tpu.dma_semaphore, #tpu.memory_space<semaphore_mem>>
          %dma_start3A_227 = arith.constant 0 : i32
          %dma_start3A_228 = tpu.memref_slice %arg7[%rem3A_187, %multiple_of3A_218, %dma_start3A_227] : memref<2x128x128xf32, #tpu.memory_space<vmem>> -> memref<1x64x128xf32, #tpu.memory_space<vmem>>
          %dma_start3A_229 = tpu.memref_squeeze %dma_start3A_228 : memref<1x64x128xf32, #tpu.memory_space<vmem>> -> memref<64x128xf32, #tpu.memory_space<vmem>>
          %dma_start3A_230 = arith.constant 0 : i32
          %dma_start3A_231 = tpu.memref_slice %arg2[%add3A_179, %multiple_of3A_218, %dma_start3A_230] : memref<256x128x128xf32, #tpu.memory_space<hbm>> -> memref<1x64x128xf32, #tpu.memory_space<hbm>>
          %dma_start3A_232 = tpu.memref_squeeze %dma_start3A_231 : memref<1x64x128xf32, #tpu.memory_space<hbm>> -> memref<64x128xf32, #tpu.memory_space<hbm>>
          tpu.enqueue_dma source(%dma_start3A_232 : memref<64x128xf32, #tpu.memory_space<hbm>>) target(%dma_start3A_229 : memref<64x128xf32, #tpu.memory_space<vmem>>) target_semaphore(%dma_start3A_226 : memref<!tpu.dma_semaphore, #tpu.memory_space<semaphore_mem>>)
          %dma_start3A_233 = arith.constant 0 : i32
          %dma_start3A_234 = arith.constant 0 : i32
          %dma_start3A_235 = tpu.memref_slice %arg8[%rem3A_187, %multiple_of3A_218, %dma_start3A_234] : memref<2x128x128xf32, #tpu.memory_space<vmem>> -> memref<1x64x128xf32, #tpu.memory_space<vmem>>
          %dma_start3A_236 = tpu.memref_squeeze %dma_start3A_235 : memref<1x64x128xf32, #tpu.memory_space<vmem>> -> memref<64x128xf32, #tpu.memory_space<vmem>>
          %dma_start3A_237 = arith.constant 0 : i32
          %dma_start3A_238 = tpu.memref_slice %arg4[%dma_start3A_233, %add3A_179, %multiple_of3A_218, %dma_start3A_237] : memref<2x256x128x128xf32, #tpu.memory_space<hbm>> -> memref<1x1x64x128xf32, #tpu.memory_space<hbm>>
          %dma_start3A_239 = tpu.memref_squeeze %dma_start3A_238 : memref<1x1x64x128xf32, #tpu.memory_space<hbm>> -> memref<64x128xf32, #tpu.memory_space<hbm>>
          %dma_start3A_240 = tpu.memref_slice %arg12[%rem3A_187] : memref<2x!tpu.dma_semaphore, #tpu.memory_space<semaphore_mem>> -> memref<1x!tpu.dma_semaphore, #tpu.memory_space<semaphore_mem>>
          %dma_start3A_241 = tpu.memref_squeeze %dma_start3A_240 : memref<1x!tpu.dma_semaphore, #tpu.memory_space<semaphore_mem>> -> memref<!tpu.dma_semaphore, #tpu.memory_space<semaphore_mem>>
          %dma_start3A_242 = arith.constant 0 : i32
          %dma_start3A_243 = tpu.memref_slice %arg8[%rem3A_187, %multiple_of3A_218, %dma_start3A_242] : memref<2x128x128xf32, #tpu.memory_space<vmem>> -> memref<1x64x128xf32, #tpu.memory_space<vmem>>
          %dma_start3A_244 = tpu.memref_squeeze %dma_start3A_243 : memref<1x64x128xf32, #tpu.memory_space<vmem>> -> memref<64x128xf32, #tpu.memory_space<vmem>>
          %dma_start3A_245 = arith.constant 0 : i32
          %dma_start3A_246 = tpu.memref_slice %arg4[%dma_start3A_233, %add3A_179, %multiple_of3A_218, %dma_start3A_245] : memref<2x256x128x128xf32, #tpu.memory_space<hbm>> -> memref<1x1x64x128xf32, #tpu.memory_space<hbm>>
          %dma_start3A_247 = tpu.memref_squeeze %dma_start3A_246 : memref<1x1x64x128xf32, #tpu.memory_space<hbm>> -> memref<64x128xf32, #tpu.memory_space<hbm>>
          tpu.enqueue_dma source(%dma_start3A_247 : memref<64x128xf32, #tpu.memory_space<hbm>>) target(%dma_start3A_244 : memref<64x128xf32, #tpu.memory_space<vmem>>) target_semaphore(%dma_start3A_241 : memref<!tpu.dma_semaphore, #tpu.memory_space<semaphore_mem>>)
          %dma_start3A_248 = arith.constant 1 : i32
          %dma_start3A_249 = arith.constant 0 : i32
          %dma_start3A_250 = tpu.memref_slice %arg9[%rem3A_187, %multiple_of3A_218, %dma_start3A_249] : memref<2x128x128xf32, #tpu.memory_space<vmem>> -> memref<1x64x128xf32, #tpu.memory_space<vmem>>
          %dma_start3A_251 = tpu.memref_squeeze %dma_start3A_250 : memref<1x64x128xf32, #tpu.memory_space<vmem>> -> memref<64x128xf32, #tpu.memory_space<vmem>>
          %dma_start3A_252 = arith.constant 0 : i32
          %dma_start3A_253 = tpu.memref_slice %arg4[%dma_start3A_248, %add3A_179, %multiple_of3A_218, %dma_start3A_252] : memref<2x256x128x128xf32, #tpu.memory_space<hbm>> -> memref<1x1x64x128xf32, #tpu.memory_space<hbm>>
          %dma_start3A_254 = tpu.memref_squeeze %dma_start3A_253 : memref<1x1x64x128xf32, #tpu.memory_space<hbm>> -> memref<64x128xf32, #tpu.memory_space<hbm>>
          %dma_start3A_255 = tpu.memref_slice %arg12[%rem3A_187] : memref<2x!tpu.dma_semaphore, #tpu.memory_space<semaphore_mem>> -> memref<1x!tpu.dma_semaphore, #tpu.memory_space<semaphore_mem>>
          %dma_start3A_256 = tpu.memref_squeeze %dma_start3A_255 : memref<1x!tpu.dma_semaphore, #tpu.memory_space<semaphore_mem>> -> memref<!tpu.dma_semaphore, #tpu.memory_space<semaphore_mem>>
          %dma_start3A_257 = arith.constant 0 : i32
          %dma_start3A_258 = tpu.memref_slice %arg9[%rem3A_187, %multiple_of3A_218, %dma_start3A_257] : memref<2x128x128xf32, #tpu.memory_space<vmem>> -> memref<1x64x128xf32, #tpu.memory_space<vmem>>
          %dma_start3A_259 = tpu.memref_squeeze %dma_start3A_258 : memref<1x64x128xf32, #tpu.memory_space<vmem>> -> memref<64x128xf32, #tpu.memory_space<vmem>>
          %dma_start3A_260 = arith.constant 0 : i32
          %dma_start3A_261 = tpu.memref_slice %arg4[%dma_start3A_248, %add3A_179, %multiple_of3A_218, %dma_start3A_260] : memref<2x256x128x128xf32, #tpu.memory_space<hbm>> -> memref<1x1x64x128xf32, #tpu.memory_space<hbm>>
          %dma_start3A_262 = tpu.memref_squeeze %dma_start3A_261 : memref<1x1x64x128xf32, #tpu.memory_space<hbm>> -> memref<64x128xf32, #tpu.memory_space<hbm>>
          tpu.enqueue_dma source(%dma_start3A_262 : memref<64x128xf32, #tpu.memory_space<hbm>>) target(%dma_start3A_259 : memref<64x128xf32, #tpu.memory_space<vmem>>) target_semaphore(%dma_start3A_256 : memref<!tpu.dma_semaphore, #tpu.memory_space<semaphore_mem>>)
        } else {
        }
        %and3A_202 = arith.constant 32 : i32
        %and3A_203 = arith.andi %and3A_185, %and3A_202 : i32
        %ne3A_204 = arith.constant 0 : i32
        %ne3A_205 = arith.cmpi ne, %and3A_203, %ne3A_204 : i32
        %convert_element_type3A_206 = arith.extui %ne3A_205 : i1 to i32
        %cond3A_207 = arith.constant 0 : i32
        %cond3A_208 = arith.cmpi ne, %convert_element_type3A_206, %cond3A_207 : i32
        scf.if %cond3A_208 {
          %and3A_216 = arith.constant -64 : i32
          %and3A_217 = arith.andi %and3A_185, %and3A_216 : i32
          %multiple_of3A_218 = tpu.assume_multiple %and3A_217, 8 : i32
          %dma_start3A_219 = arith.constant 0 : i32
          %dma_start3A_220 = tpu.memref_slice %arg7[%rem3A_187, %multiple_of3A_218, %dma_start3A_219] : memref<2x128x128xf32, #tpu.memory_space<vmem>> -> memref<1x32x128xf32, #tpu.memory_space<vmem>>
          %dma_start3A_221 = tpu.memref_squeeze %dma_start3A_220 : memref<1x32x128xf32, #tpu.memory_space<vmem>> -> memref<32x128xf32, #tpu.memory_space<vmem>>
          %dma_start3A_222 = arith.constant 0 : i32
          %dma_start3A_223 = tpu.memref_slice %arg2[%add3A_179, %multiple_of3A_218, %dma_start3A_222] : memref<256x128x128xf32, #tpu.memory_space<hbm>> -> memref<1x32x128xf32, #tpu.memory_space<hbm>>
          %dma_start3A_224 = tpu.memref_squeeze %dma_start3A_223 : memref<1x32x128xf32, #tpu.memory_space<hbm>> -> memref<32x128xf32, #tpu.memory_space<hbm>>
          %dma_start3A_225 = tpu.memref_slice %arg12[%rem3A_187] : memref<2x!tpu.dma_semaphore, #tpu.memory_space<semaphore_mem>> -> memref<1x!tpu.dma_semaphore, #tpu.memory_space<semaphore_mem>>
          %dma_start3A_226 = tpu.memref_squeeze %dma_start3A_225 : memref<1x!tpu.dma_semaphore, #tpu.memory_space<semaphore_mem>> -> memref<!tpu.dma_semaphore, #tpu.memory_space<semaphore_mem>>
          %dma_start3A_227 = arith.constant 0 : i32
          %dma_start3A_228 = tpu.memref_slice %arg7[%rem3A_187, %multiple_of3A_218, %dma_start3A_227] : memref<2x128x128xf32, #tpu.memory_space<vmem>> -> memref<1x32x128xf32, #tpu.memory_space<vmem>>
          %dma_start3A_229 = tpu.memref_squeeze %dma_start3A_228 : memref<1x32x128xf32, #tpu.memory_space<vmem>> -> memref<32x128xf32, #tpu.memory_space<vmem>>
          %dma_start3A_230 = arith.constant 0 : i32
          %dma_start3A_231 = tpu.memref_slice %arg2[%add3A_179, %multiple_of3A_218, %dma_start3A_230] : memref<256x128x128xf32, #tpu.memory_space<hbm>> -> memref<1x32x128xf32, #tpu.memory_space<hbm>>
          %dma_start3A_232 = tpu.memref_squeeze %dma_start3A_231 : memref<1x32x128xf32, #tpu.memory_space<hbm>> -> memref<32x128xf32, #tpu.memory_space<hbm>>
          tpu.enqueue_dma source(%dma_start3A_232 : memref<32x128xf32, #tpu.memory_space<hbm>>) target(%dma_start3A_229 : memref<32x128xf32, #tpu.memory_space<vmem>>) target_semaphore(%dma_start3A_226 : memref<!tpu.dma_semaphore, #tpu.memory_space<semaphore_mem>>)
          %dma_start3A_233 = arith.constant 0 : i32
          %dma_start3A_234 = arith.constant 0 : i32
          %dma_start3A_235 = tpu.memref_slice %arg8[%rem3A_187, %multiple_of3A_218, %dma_start3A_234] : memref<2x128x128xf32, #tpu.memory_space<vmem>> -> memref<1x32x128xf32, #tpu.memory_space<vmem>>
          %dma_start3A_236 = tpu.memref_squeeze %dma_start3A_235 : memref<1x32x128xf32, #tpu.memory_space<vmem>> -> memref<32x128xf32, #tpu.memory_space<vmem>>
          %dma_start3A_237 = arith.constant 0 : i32
          %dma_start3A_238 = tpu.memref_slice %arg4[%dma_start3A_233, %add3A_179, %multiple_of3A_218, %dma_start3A_237] : memref<2x256x128x128xf32, #tpu.memory_space<hbm>> -> memref<1x1x32x128xf32, #tpu.memory_space<hbm>>
          %dma_start3A_239 = tpu.memref_squeeze %dma_start3A_238 : memref<1x1x32x128xf32, #tpu.memory_space<hbm>> -> memref<32x128xf32, #tpu.memory_space<hbm>>
          %dma_start3A_240 = tpu.memref_slice %arg12[%rem3A_187] : memref<2x!tpu.dma_semaphore, #tpu.memory_space<semaphore_mem>> -> memref<1x!tpu.dma_semaphore, #tpu.memory_space<semaphore_mem>>
          %dma_start3A_241 = tpu.memref_squeeze %dma_start3A_240 : memref<1x!tpu.dma_semaphore, #tpu.memory_space<semaphore_mem>> -> memref<!tpu.dma_semaphore, #tpu.memory_space<semaphore_mem>>
          %dma_start3A_242 = arith.constant 0 : i32
          %dma_start3A_243 = tpu.memref_slice %arg8[%rem3A_187, %multiple_of3A_218, %dma_start3A_242] : memref<2x128x128xf32, #tpu.memory_space<vmem>> -> memref<1x32x128xf32, #tpu.memory_space<vmem>>
          %dma_start3A_244 = tpu.memref_squeeze %dma_start3A_243 : memref<1x32x128xf32, #tpu.memory_space<vmem>> -> memref<32x128xf32, #tpu.memory_space<vmem>>
          %dma_start3A_245 = arith.constant 0 : i32
          %dma_start3A_246 = tpu.memref_slice %arg4[%dma_start3A_233, %add3A_179, %multiple_of3A_218, %dma_start3A_245] : memref<2x256x128x128xf32, #tpu.memory_space<hbm>> -> memref<1x1x32x128xf32, #tpu.memory_space<hbm>>
          %dma_start3A_247 = tpu.memref_squeeze %dma_start3A_246 : memref<1x1x32x128xf32, #tpu.memory_space<hbm>> -> memref<32x128xf32, #tpu.memory_space<hbm>>
          tpu.enqueue_dma source(%dma_start3A_247 : memref<32x128xf32, #tpu.memory_space<hbm>>) target(%dma_start3A_244 : memref<32x128xf32, #tpu.memory_space<vmem>>) target_semaphore(%dma_start3A_241 : memref<!tpu.dma_semaphore, #tpu.memory_space<semaphore_mem>>)
          %dma_start3A_248 = arith.constant 1 : i32
          %dma_start3A_249 = arith.constant 0 : i32
          %dma_start3A_250 = tpu.memref_slice %arg9[%rem3A_187, %multiple_of3A_218, %dma_start3A_249] : memref<2x128x128xf32, #tpu.memory_space<vmem>> -> memref<1x32x128xf32, #tpu.memory_space<vmem>>
          %dma_start3A_251 = tpu.memref_squeeze %dma_start3A_250 : memref<1x32x128xf32, #tpu.memory_space<vmem>> -> memref<32x128xf32, #tpu.memory_space<vmem>>
          %dma_start3A_252 = arith.constant 0 : i32
          %dma_start3A_253 = tpu.memref_slice %arg4[%dma_start3A_248, %add3A_179, %multiple_of3A_218, %dma_start3A_252] : memref<2x256x128x128xf32, #tpu.memory_space<hbm>> -> memref<1x1x32x128xf32, #tpu.memory_space<hbm>>
          %dma_start3A_254 = tpu.memref_squeeze %dma_start3A_253 : memref<1x1x32x128xf32, #tpu.memory_space<hbm>> -> memref<32x128xf32, #tpu.memory_space<hbm>>
          %dma_start3A_255 = tpu.memref_slice %arg12[%rem3A_187] : memref<2x!tpu.dma_semaphore, #tpu.memory_space<semaphore_mem>> -> memref<1x!tpu.dma_semaphore, #tpu.memory_space<semaphore_mem>>
          %dma_start3A_256 = tpu.memref_squeeze %dma_start3A_255 : memref<1x!tpu.dma_semaphore, #tpu.memory_space<semaphore_mem>> -> memref<!tpu.dma_semaphore, #tpu.memory_space<semaphore_mem>>
          %dma_start3A_257 = arith.constant 0 : i32
          %dma_start3A_258 = tpu.memref_slice %arg9[%rem3A_187, %multiple_of3A_218, %dma_start3A_257] : memref<2x128x128xf32, #tpu.memory_space<vmem>> -> memref<1x32x128xf32, #tpu.memory_space<vmem>>
          %dma_start3A_259 = tpu.memref_squeeze %dma_start3A_258 : memref<1x32x128xf32, #tpu.memory_space<vmem>> -> memref<32x128xf32, #tpu.memory_space<vmem>>
          %dma_start3A_260 = arith.constant 0 : i32
          %dma_start3A_261 = tpu.memref_slice %arg4[%dma_start3A_248, %add3A_179, %multiple_of3A_218, %dma_start3A_260] : memref<2x256x128x128xf32, #tpu.memory_space<hbm>> -> memref<1x1x32x128xf32, #tpu.memory_space<hbm>>
          %dma_start3A_262 = tpu.memref_squeeze %dma_start3A_261 : memref<1x1x32x128xf32, #tpu.memory_space<hbm>> -> memref<32x128xf32, #tpu.memory_space<hbm>>
          tpu.enqueue_dma source(%dma_start3A_262 : memref<32x128xf32, #tpu.memory_space<hbm>>) target(%dma_start3A_259 : memref<32x128xf32, #tpu.memory_space<vmem>>) target_semaphore(%dma_start3A_256 : memref<!tpu.dma_semaphore, #tpu.memory_space<semaphore_mem>>)
        } else {
        }
        %and3A_209 = arith.constant 16 : i32
        %and3A_210 = arith.andi %and3A_185, %and3A_209 : i32
        %ne3A_211 = arith.constant 0 : i32
        %ne3A_212 = arith.cmpi ne, %and3A_210, %ne3A_211 : i32
        %convert_element_type3A_213 = arith.extui %ne3A_212 : i1 to i32
        %cond3A_214 = arith.constant 0 : i32
        %cond3A_215 = arith.cmpi ne, %convert_element_type3A_213, %cond3A_214 : i32
        scf.if %cond3A_215 {
          %and3A_216 = arith.constant -32 : i32
          %and3A_217 = arith.andi %and3A_185, %and3A_216 : i32
          %multiple_of3A_218 = tpu.assume_multiple %and3A_217, 8 : i32
          %dma_start3A_219 = arith.constant 0 : i32
          %dma_start3A_220 = tpu.memref_slice %arg7[%rem3A_187, %multiple_of3A_218, %dma_start3A_219] : memref<2x128x128xf32, #tpu.memory_space<vmem>> -> memref<1x16x128xf32, #tpu.memory_space<vmem>>
          %dma_start3A_221 = tpu.memref_squeeze %dma_start3A_220 : memref<1x16x128xf32, #tpu.memory_space<vmem>> -> memref<16x128xf32, #tpu.memory_space<vmem>>
          %dma_start3A_222 = arith.constant 0 : i32
          %dma_start3A_223 = tpu.memref_slice %arg2[%add3A_179, %multiple_of3A_218, %dma_start3A_222] : memref<256x128x128xf32, #tpu.memory_space<hbm>> -> memref<1x16x128xf32, #tpu.memory_space<hbm>>
          %dma_start3A_224 = tpu.memref_squeeze %dma_start3A_223 : memref<1x16x128xf32, #tpu.memory_space<hbm>> -> memref<16x128xf32, #tpu.memory_space<hbm>>
          %dma_start3A_225 = tpu.memref_slice %arg12[%rem3A_187] : memref<2x!tpu.dma_semaphore, #tpu.memory_space<semaphore_mem>> -> memref<1x!tpu.dma_semaphore, #tpu.memory_space<semaphore_mem>>
          %dma_start3A_226 = tpu.memref_squeeze %dma_start3A_225 : memref<1x!tpu.dma_semaphore, #tpu.memory_space<semaphore_mem>> -> memref<!tpu.dma_semaphore, #tpu.memory_space<semaphore_mem>>
          %dma_start3A_227 = arith.constant 0 : i32
          %dma_start3A_228 = tpu.memref_slice %arg7[%rem3A_187, %multiple_of3A_218, %dma_start3A_227] : memref<2x128x128xf32, #tpu.memory_space<vmem>> -> memref<1x16x128xf32, #tpu.memory_space<vmem>>
          %dma_start3A_229 = tpu.memref_squeeze %dma_start3A_228 : memref<1x16x128xf32, #tpu.memory_space<vmem>> -> memref<16x128xf32, #tpu.memory_space<vmem>>
          %dma_start3A_230 = arith.constant 0 : i32
          %dma_start3A_231 = tpu.memref_slice %arg2[%add3A_179, %multiple_of3A_218, %dma_start3A_230] : memref<256x128x128xf32, #tpu.memory_space<hbm>> -> memref<1x16x128xf32, #tpu.memory_space<hbm>>
          %dma_start3A_232 = tpu.memref_squeeze %dma_start3A_231 : memref<1x16x128xf32, #tpu.memory_space<hbm>> -> memref<16x128xf32, #tpu.memory_space<hbm>>
          tpu.enqueue_dma source(%dma_start3A_232 : memref<16x128xf32, #tpu.memory_space<hbm>>) target(%dma_start3A_229 : memref<16x128xf32, #tpu.memory_space<vmem>>) target_semaphore(%dma_start3A_226 : memref<!tpu.dma_semaphore, #tpu.memory_space<semaphore_mem>>)
          %dma_start3A_233 = arith.constant 0 : i32
          %dma_start3A_234 = arith.constant 0 : i32
          %dma_start3A_235 = tpu.memref_slice %arg8[%rem3A_187, %multiple_of3A_218, %dma_start3A_234] : memref<2x128x128xf32, #tpu.memory_space<vmem>> -> memref<1x16x128xf32, #tpu.memory_space<vmem>>
          %dma_start3A_236 = tpu.memref_squeeze %dma_start3A_235 : memref<1x16x128xf32, #tpu.memory_space<vmem>> -> memref<16x128xf32, #tpu.memory_space<vmem>>
          %dma_start3A_237 = arith.constant 0 : i32
          %dma_start3A_238 = tpu.memref_slice %arg4[%dma_start3A_233, %add3A_179, %multiple_of3A_218, %dma_start3A_237] : memref<2x256x128x128xf32, #tpu.memory_space<hbm>> -> memref<1x1x16x128xf32, #tpu.memory_space<hbm>>
          %dma_start3A_239 = tpu.memref_squeeze %dma_start3A_238 : memref<1x1x16x128xf32, #tpu.memory_space<hbm>> -> memref<16x128xf32, #tpu.memory_space<hbm>>
          %dma_start3A_240 = tpu.memref_slice %arg12[%rem3A_187] : memref<2x!tpu.dma_semaphore, #tpu.memory_space<semaphore_mem>> -> memref<1x!tpu.dma_semaphore, #tpu.memory_space<semaphore_mem>>
          %dma_start3A_241 = tpu.memref_squeeze %dma_start3A_240 : memref<1x!tpu.dma_semaphore, #tpu.memory_space<semaphore_mem>> -> memref<!tpu.dma_semaphore, #tpu.memory_space<semaphore_mem>>
          %dma_start3A_242 = arith.constant 0 : i32
          %dma_start3A_243 = tpu.memref_slice %arg8[%rem3A_187, %multiple_of3A_218, %dma_start3A_242] : memref<2x128x128xf32, #tpu.memory_space<vmem>> -> memref<1x16x128xf32, #tpu.memory_space<vmem>>
          %dma_start3A_244 = tpu.memref_squeeze %dma_start3A_243 : memref<1x16x128xf32, #tpu.memory_space<vmem>> -> memref<16x128xf32, #tpu.memory_space<vmem>>
          %dma_start3A_245 = arith.constant 0 : i32
          %dma_start3A_246 = tpu.memref_slice %arg4[%dma_start3A_233, %add3A_179, %multiple_of3A_218, %dma_start3A_245] : memref<2x256x128x128xf32, #tpu.memory_space<hbm>> -> memref<1x1x16x128xf32, #tpu.memory_space<hbm>>
          %dma_start3A_247 = tpu.memref_squeeze %dma_start3A_246 : memref<1x1x16x128xf32, #tpu.memory_space<hbm>> -> memref<16x128xf32, #tpu.memory_space<hbm>>
          tpu.enqueue_dma source(%dma_start3A_247 : memref<16x128xf32, #tpu.memory_space<hbm>>) target(%dma_start3A_244 : memref<16x128xf32, #tpu.memory_space<vmem>>) target_semaphore(%dma_start3A_241 : memref<!tpu.dma_semaphore, #tpu.memory_space<semaphore_mem>>)
          %dma_start3A_248 = arith.constant 1 : i32
          %dma_start3A_249 = arith.constant 0 : i32
          %dma_start3A_250 = tpu.memref_slice %arg9[%rem3A_187, %multiple_of3A_218, %dma_start3A_249] : memref<2x128x128xf32, #tpu.memory_space<vmem>> -> memref<1x16x128xf32, #tpu.memory_space<vmem>>
          %dma_start3A_251 = tpu.memref_squeeze %dma_start3A_250 : memref<1x16x128xf32, #tpu.memory_space<vmem>> -> memref<16x128xf32, #tpu.memory_space<vmem>>
          %dma_start3A_252 = arith.constant 0 : i32
          %dma_start3A_253 = tpu.memref_slice %arg4[%dma_start3A_248, %add3A_179, %multiple_of3A_218, %dma_start3A_252] : memref<2x256x128x128xf32, #tpu.memory_space<hbm>> -> memref<1x1x16x128xf32, #tpu.memory_space<hbm>>
          %dma_start3A_254 = tpu.memref_squeeze %dma_start3A_253 : memref<1x1x16x128xf32, #tpu.memory_space<hbm>> -> memref<16x128xf32, #tpu.memory_space<hbm>>
          %dma_start3A_255 = tpu.memref_slice %arg12[%rem3A_187] : memref<2x!tpu.dma_semaphore, #tpu.memory_space<semaphore_mem>> -> memref<1x!tpu.dma_semaphore, #tpu.memory_space<semaphore_mem>>
          %dma_start3A_256 = tpu.memref_squeeze %dma_start3A_255 : memref<1x!tpu.dma_semaphore, #tpu.memory_space<semaphore_mem>> -> memref<!tpu.dma_semaphore, #tpu.memory_space<semaphore_mem>>
          %dma_start3A_257 = arith.constant 0 : i32
          %dma_start3A_258 = tpu.memref_slice %arg9[%rem3A_187, %multiple_of3A_218, %dma_start3A_257] : memref<2x128x128xf32, #tpu.memory_space<vmem>> -> memref<1x16x128xf32, #tpu.memory_space<vmem>>
          %dma_start3A_259 = tpu.memref_squeeze %dma_start3A_258 : memref<1x16x128xf32, #tpu.memory_space<vmem>> -> memref<16x128xf32, #tpu.memory_space<vmem>>
          %dma_start3A_260 = arith.constant 0 : i32
          %dma_start3A_261 = tpu.memref_slice %arg4[%dma_start3A_248, %add3A_179, %multiple_of3A_218, %dma_start3A_260] : memref<2x256x128x128xf32, #tpu.memory_space<hbm>> -> memref<1x1x16x128xf32, #tpu.memory_space<hbm>>
          %dma_start3A_262 = tpu.memref_squeeze %dma_start3A_261 : memref<1x1x16x128xf32, #tpu.memory_space<hbm>> -> memref<16x128xf32, #tpu.memory_space<hbm>>
          tpu.enqueue_dma source(%dma_start3A_262 : memref<16x128xf32, #tpu.memory_space<hbm>>) target(%dma_start3A_259 : memref<16x128xf32, #tpu.memory_space<vmem>>) target_semaphore(%dma_start3A_256 : memref<!tpu.dma_semaphore, #tpu.memory_space<semaphore_mem>>)
        } else {
        }
      } else {
      }
      %add3A_102 = arith.addi %multiple_of3A, %scan3A_94 : i32
      %get3A_103 = arith.index_cast %scan3A_94 : i32 to index
      %get3A_104 = memref.load %arg11[%get3A_103] : memref<8xi32, #tpu.memory_space<smem>>
      %add3A_105 = arith.constant 15 : i32
      %add3A_106 = arith.addi %get3A_104, %add3A_105 : i32
      %and3A_107 = arith.constant -16 : i32
      %and3A_108 = arith.andi %add3A_106, %and3A_107 : i32
      %rem3A_109 = arith.constant 2 : i32
      %rem3A_110 = arith.remsi %scan3A_94, %rem3A_109 : i32
      %and3A_111 = arith.constant 128 : i32
      %and3A_112 = arith.andi %and3A_108, %and3A_111 : i32
      %ne3A_113 = arith.constant 0 : i32
      %ne3A_114 = arith.cmpi ne, %and3A_112, %ne3A_113 : i32
      %convert_element_type3A_115 = arith.extui %ne3A_114 : i1 to i32
      %cond3A_116 = arith.constant 0 : i32
      %cond3A_117 = arith.cmpi ne, %convert_element_type3A_115, %cond3A_116 : i32
      scf.if %cond3A_117 {
        %and3A_177 = arith.constant -256 : i32
        %and3A_178 = arith.andi %and3A_108, %and3A_177 : i32
        %multiple_of3A_179 = tpu.assume_multiple %and3A_178, 8 : i32
        %dma_wait3A_180 = arith.constant 0 : i32
        %dma_wait3A_181 = tpu.memref_slice %arg7[%rem3A_110, %multiple_of3A_179, %dma_wait3A_180] : memref<2x128x128xf32, #tpu.memory_space<vmem>> -> memref<1x128x128xf32, #tpu.memory_space<vmem>>
        %dma_wait3A_182 = tpu.memref_squeeze %dma_wait3A_181 : memref<1x128x128xf32, #tpu.memory_space<vmem>> -> memref<128x128xf32, #tpu.memory_space<vmem>>
        %dma_wait3A_183 = arith.constant 0 : i32
        %dma_wait3A_184 = tpu.memref_slice %arg2[%add3A_102, %multiple_of3A_179, %dma_wait3A_183] : memref<256x128x128xf32, #tpu.memory_space<hbm>> -> memref<1x128x128xf32, #tpu.memory_space<hbm>>
        %dma_wait3A_185 = tpu.memref_squeeze %dma_wait3A_184 : memref<1x128x128xf32, #tpu.memory_space<hbm>> -> memref<128x128xf32, #tpu.memory_space<hbm>>
        %dma_wait3A_186 = tpu.memref_slice %arg12[%rem3A_110] : memref<2x!tpu.dma_semaphore, #tpu.memory_space<semaphore_mem>> -> memref<1x!tpu.dma_semaphore, #tpu.memory_space<semaphore_mem>>
        %dma_wait3A_187 = tpu.memref_squeeze %dma_wait3A_186 : memref<1x!tpu.dma_semaphore, #tpu.memory_space<semaphore_mem>> -> memref<!tpu.dma_semaphore, #tpu.memory_space<semaphore_mem>>
        %dma_wait3A_188 = arith.constant 0 : i32
        %dma_wait3A_189 = tpu.memref_slice %arg7[%rem3A_110, %multiple_of3A_179, %dma_wait3A_188] : memref<2x128x128xf32, #tpu.memory_space<vmem>> -> memref<1x128x128xf32, #tpu.memory_space<vmem>>
        %dma_wait3A_190 = tpu.memref_squeeze %dma_wait3A_189 : memref<1x128x128xf32, #tpu.memory_space<vmem>> -> memref<128x128xf32, #tpu.memory_space<vmem>>
        %dma_wait3A_191 = arith.constant 0 : i32
        %dma_wait3A_192 = tpu.memref_slice %arg2[%add3A_102, %multiple_of3A_179, %dma_wait3A_191] : memref<256x128x128xf32, #tpu.memory_space<hbm>> -> memref<1x128x128xf32, #tpu.memory_space<hbm>>
        %dma_wait3A_193 = tpu.memref_squeeze %dma_wait3A_192 : memref<1x128x128xf32, #tpu.memory_space<hbm>> -> memref<128x128xf32, #tpu.memory_space<hbm>>
        tpu.wait_dma2 semaphore(%dma_wait3A_187 : memref<!tpu.dma_semaphore, #tpu.memory_space<semaphore_mem>>) src(%dma_wait3A_193 : memref<128x128xf32, #tpu.memory_space<hbm>>) dst(%dma_wait3A_190 : memref<128x128xf32, #tpu.memory_space<vmem>>)
        %dma_wait3A_194 = arith.constant 0 : i32
        %dma_wait3A_195 = arith.constant 0 : i32
        %dma_wait3A_196 = tpu.memref_slice %arg8[%rem3A_110, %multiple_of3A_179, %dma_wait3A_195] : memref<2x128x128xf32, #tpu.memory_space<vmem>> -> memref<1x128x128xf32, #tpu.memory_space<vmem>>
        %dma_wait3A_197 = tpu.memref_squeeze %dma_wait3A_196 : memref<1x128x128xf32, #tpu.memory_space<vmem>> -> memref<128x128xf32, #tpu.memory_space<vmem>>
        %dma_wait3A_198 = arith.constant 0 : i32
        %dma_wait3A_199 = tpu.memref_slice %arg4[%dma_wait3A_194, %add3A_102, %multiple_of3A_179, %dma_wait3A_198] : memref<2x256x128x128xf32, #tpu.memory_space<hbm>> -> memref<1x1x128x128xf32, #tpu.memory_space<hbm>>
        %dma_wait3A_200 = tpu.memref_squeeze %dma_wait3A_199 : memref<1x1x128x128xf32, #tpu.memory_space<hbm>> -> memref<128x128xf32, #tpu.memory_space<hbm>>
        %dma_wait3A_201 = tpu.memref_slice %arg12[%rem3A_110] : memref<2x!tpu.dma_semaphore, #tpu.memory_space<semaphore_mem>> -> memref<1x!tpu.dma_semaphore, #tpu.memory_space<semaphore_mem>>
        %dma_wait3A_202 = tpu.memref_squeeze %dma_wait3A_201 : memref<1x!tpu.dma_semaphore, #tpu.memory_space<semaphore_mem>> -> memref<!tpu.dma_semaphore, #tpu.memory_space<semaphore_mem>>
        %dma_wait3A_203 = arith.constant 0 : i32
        %dma_wait3A_204 = tpu.memref_slice %arg8[%rem3A_110, %multiple_of3A_179, %dma_wait3A_203] : memref<2x128x128xf32, #tpu.memory_space<vmem>> -> memref<1x128x128xf32, #tpu.memory_space<vmem>>
        %dma_wait3A_205 = tpu.memref_squeeze %dma_wait3A_204 : memref<1x128x128xf32, #tpu.memory_space<vmem>> -> memref<128x128xf32, #tpu.memory_space<vmem>>
        %dma_wait3A_206 = arith.constant 0 : i32
        %dma_wait3A_207 = tpu.memref_slice %arg4[%dma_wait3A_194, %add3A_102, %multiple_of3A_179, %dma_wait3A_206] : memref<2x256x128x128xf32, #tpu.memory_space<hbm>> -> memref<1x1x128x128xf32, #tpu.memory_space<hbm>>
        %dma_wait3A_208 = tpu.memref_squeeze %dma_wait3A_207 : memref<1x1x128x128xf32, #tpu.memory_space<hbm>> -> memref<128x128xf32, #tpu.memory_space<hbm>>
        tpu.wait_dma2 semaphore(%dma_wait3A_202 : memref<!tpu.dma_semaphore, #tpu.memory_space<semaphore_mem>>) src(%dma_wait3A_208 : memref<128x128xf32, #tpu.memory_space<hbm>>) dst(%dma_wait3A_205 : memref<128x128xf32, #tpu.memory_space<vmem>>)
        %dma_wait3A_209 = arith.constant 1 : i32
        %dma_wait3A_210 = arith.constant 0 : i32
        %dma_wait3A_211 = tpu.memref_slice %arg9[%rem3A_110, %multiple_of3A_179, %dma_wait3A_210] : memref<2x128x128xf32, #tpu.memory_space<vmem>> -> memref<1x128x128xf32, #tpu.memory_space<vmem>>
        %dma_wait3A_212 = tpu.memref_squeeze %dma_wait3A_211 : memref<1x128x128xf32, #tpu.memory_space<vmem>> -> memref<128x128xf32, #tpu.memory_space<vmem>>
        %dma_wait3A_213 = arith.constant 0 : i32
        %dma_wait3A_214 = tpu.memref_slice %arg4[%dma_wait3A_209, %add3A_102, %multiple_of3A_179, %dma_wait3A_213] : memref<2x256x128x128xf32, #tpu.memory_space<hbm>> -> memref<1x1x128x128xf32, #tpu.memory_space<hbm>>
        %dma_wait3A_215 = tpu.memref_squeeze %dma_wait3A_214 : memref<1x1x128x128xf32, #tpu.memory_space<hbm>> -> memref<128x128xf32, #tpu.memory_space<hbm>>
        %dma_wait3A_216 = tpu.memref_slice %arg12[%rem3A_110] : memref<2x!tpu.dma_semaphore, #tpu.memory_space<semaphore_mem>> -> memref<1x!tpu.dma_semaphore, #tpu.memory_space<semaphore_mem>>
        %dma_wait3A_217 = tpu.memref_squeeze %dma_wait3A_216 : memref<1x!tpu.dma_semaphore, #tpu.memory_space<semaphore_mem>> -> memref<!tpu.dma_semaphore, #tpu.memory_space<semaphore_mem>>
        %dma_wait3A_218 = arith.constant 0 : i32
        %dma_wait3A_219 = tpu.memref_slice %arg9[%rem3A_110, %multiple_of3A_179, %dma_wait3A_218] : memref<2x128x128xf32, #tpu.memory_space<vmem>> -> memref<1x128x128xf32, #tpu.memory_space<vmem>>
        %dma_wait3A_220 = tpu.memref_squeeze %dma_wait3A_219 : memref<1x128x128xf32, #tpu.memory_space<vmem>> -> memref<128x128xf32, #tpu.memory_space<vmem>>
        %dma_wait3A_221 = arith.constant 0 : i32
        %dma_wait3A_222 = tpu.memref_slice %arg4[%dma_wait3A_209, %add3A_102, %multiple_of3A_179, %dma_wait3A_221] : memref<2x256x128x128xf32, #tpu.memory_space<hbm>> -> memref<1x1x128x128xf32, #tpu.memory_space<hbm>>
        %dma_wait3A_223 = tpu.memref_squeeze %dma_wait3A_222 : memref<1x1x128x128xf32, #tpu.memory_space<hbm>> -> memref<128x128xf32, #tpu.memory_space<hbm>>
        tpu.wait_dma2 semaphore(%dma_wait3A_217 : memref<!tpu.dma_semaphore, #tpu.memory_space<semaphore_mem>>) src(%dma_wait3A_223 : memref<128x128xf32, #tpu.memory_space<hbm>>) dst(%dma_wait3A_220 : memref<128x128xf32, #tpu.memory_space<vmem>>)
      } else {
      }
      %and3A_118 = arith.constant 64 : i32
      %and3A_119 = arith.andi %and3A_108, %and3A_118 : i32
      %ne3A_120 = arith.constant 0 : i32
      %ne3A_121 = arith.cmpi ne, %and3A_119, %ne3A_120 : i32
      %convert_element_type3A_122 = arith.extui %ne3A_121 : i1 to i32
      %cond3A_123 = arith.constant 0 : i32
      %cond3A_124 = arith.cmpi ne, %convert_element_type3A_122, %cond3A_123 : i32
      scf.if %cond3A_124 {
        %and3A_177 = arith.constant -128 : i32
        %and3A_178 = arith.andi %and3A_108, %and3A_177 : i32
        %multiple_of3A_179 = tpu.assume_multiple %and3A_178, 8 : i32
        %dma_wait3A_180 = arith.constant 0 : i32
        %dma_wait3A_181 = tpu.memref_slice %arg7[%rem3A_110, %multiple_of3A_179, %dma_wait3A_180] : memref<2x128x128xf32, #tpu.memory_space<vmem>> -> memref<1x64x128xf32, #tpu.memory_space<vmem>>
        %dma_wait3A_182 = tpu.memref_squeeze %dma_wait3A_181 : memref<1x64x128xf32, #tpu.memory_space<vmem>> -> memref<64x128xf32, #tpu.memory_space<vmem>>
        %dma_wait3A_183 = arith.constant 0 : i32
        %dma_wait3A_184 = tpu.memref_slice %arg2[%add3A_102, %multiple_of3A_179, %dma_wait3A_183] : memref<256x128x128xf32, #tpu.memory_space<hbm>> -> memref<1x64x128xf32, #tpu.memory_space<hbm>>
        %dma_wait3A_185 = tpu.memref_squeeze %dma_wait3A_184 : memref<1x64x128xf32, #tpu.memory_space<hbm>> -> memref<64x128xf32, #tpu.memory_space<hbm>>
        %dma_wait3A_186 = tpu.memref_slice %arg12[%rem3A_110] : memref<2x!tpu.dma_semaphore, #tpu.memory_space<semaphore_mem>> -> memref<1x!tpu.dma_semaphore, #tpu.memory_space<semaphore_mem>>
        %dma_wait3A_187 = tpu.memref_squeeze %dma_wait3A_186 : memref<1x!tpu.dma_semaphore, #tpu.memory_space<semaphore_mem>> -> memref<!tpu.dma_semaphore, #tpu.memory_space<semaphore_mem>>
        %dma_wait3A_188 = arith.constant 0 : i32
        %dma_wait3A_189 = tpu.memref_slice %arg7[%rem3A_110, %multiple_of3A_179, %dma_wait3A_188] : memref<2x128x128xf32, #tpu.memory_space<vmem>> -> memref<1x64x128xf32, #tpu.memory_space<vmem>>
        %dma_wait3A_190 = tpu.memref_squeeze %dma_wait3A_189 : memref<1x64x128xf32, #tpu.memory_space<vmem>> -> memref<64x128xf32, #tpu.memory_space<vmem>>
        %dma_wait3A_191 = arith.constant 0 : i32
        %dma_wait3A_192 = tpu.memref_slice %arg2[%add3A_102, %multiple_of3A_179, %dma_wait3A_191] : memref<256x128x128xf32, #tpu.memory_space<hbm>> -> memref<1x64x128xf32, #tpu.memory_space<hbm>>
        %dma_wait3A_193 = tpu.memref_squeeze %dma_wait3A_192 : memref<1x64x128xf32, #tpu.memory_space<hbm>> -> memref<64x128xf32, #tpu.memory_space<hbm>>
        tpu.wait_dma2 semaphore(%dma_wait3A_187 : memref<!tpu.dma_semaphore, #tpu.memory_space<semaphore_mem>>) src(%dma_wait3A_193 : memref<64x128xf32, #tpu.memory_space<hbm>>) dst(%dma_wait3A_190 : memref<64x128xf32, #tpu.memory_space<vmem>>)
        %dma_wait3A_194 = arith.constant 0 : i32
        %dma_wait3A_195 = arith.constant 0 : i32
        %dma_wait3A_196 = tpu.memref_slice %arg8[%rem3A_110, %multiple_of3A_179, %dma_wait3A_195] : memref<2x128x128xf32, #tpu.memory_space<vmem>> -> memref<1x64x128xf32, #tpu.memory_space<vmem>>
        %dma_wait3A_197 = tpu.memref_squeeze %dma_wait3A_196 : memref<1x64x128xf32, #tpu.memory_space<vmem>> -> memref<64x128xf32, #tpu.memory_space<vmem>>
        %dma_wait3A_198 = arith.constant 0 : i32
        %dma_wait3A_199 = tpu.memref_slice %arg4[%dma_wait3A_194, %add3A_102, %multiple_of3A_179, %dma_wait3A_198] : memref<2x256x128x128xf32, #tpu.memory_space<hbm>> -> memref<1x1x64x128xf32, #tpu.memory_space<hbm>>
        %dma_wait3A_200 = tpu.memref_squeeze %dma_wait3A_199 : memref<1x1x64x128xf32, #tpu.memory_space<hbm>> -> memref<64x128xf32, #tpu.memory_space<hbm>>
        %dma_wait3A_201 = tpu.memref_slice %arg12[%rem3A_110] : memref<2x!tpu.dma_semaphore, #tpu.memory_space<semaphore_mem>> -> memref<1x!tpu.dma_semaphore, #tpu.memory_space<semaphore_mem>>
        %dma_wait3A_202 = tpu.memref_squeeze %dma_wait3A_201 : memref<1x!tpu.dma_semaphore, #tpu.memory_space<semaphore_mem>> -> memref<!tpu.dma_semaphore, #tpu.memory_space<semaphore_mem>>
        %dma_wait3A_203 = arith.constant 0 : i32
        %dma_wait3A_204 = tpu.memref_slice %arg8[%rem3A_110, %multiple_of3A_179, %dma_wait3A_203] : memref<2x128x128xf32, #tpu.memory_space<vmem>> -> memref<1x64x128xf32, #tpu.memory_space<vmem>>
        %dma_wait3A_205 = tpu.memref_squeeze %dma_wait3A_204 : memref<1x64x128xf32, #tpu.memory_space<vmem>> -> memref<64x128xf32, #tpu.memory_space<vmem>>
        %dma_wait3A_206 = arith.constant 0 : i32
        %dma_wait3A_207 = tpu.memref_slice %arg4[%dma_wait3A_194, %add3A_102, %multiple_of3A_179, %dma_wait3A_206] : memref<2x256x128x128xf32, #tpu.memory_space<hbm>> -> memref<1x1x64x128xf32, #tpu.memory_space<hbm>>
        %dma_wait3A_208 = tpu.memref_squeeze %dma_wait3A_207 : memref<1x1x64x128xf32, #tpu.memory_space<hbm>> -> memref<64x128xf32, #tpu.memory_space<hbm>>
        tpu.wait_dma2 semaphore(%dma_wait3A_202 : memref<!tpu.dma_semaphore, #tpu.memory_space<semaphore_mem>>) src(%dma_wait3A_208 : memref<64x128xf32, #tpu.memory_space<hbm>>) dst(%dma_wait3A_205 : memref<64x128xf32, #tpu.memory_space<vmem>>)
        %dma_wait3A_209 = arith.constant 1 : i32
        %dma_wait3A_210 = arith.constant 0 : i32
        %dma_wait3A_211 = tpu.memref_slice %arg9[%rem3A_110, %multiple_of3A_179, %dma_wait3A_210] : memref<2x128x128xf32, #tpu.memory_space<vmem>> -> memref<1x64x128xf32, #tpu.memory_space<vmem>>
        %dma_wait3A_212 = tpu.memref_squeeze %dma_wait3A_211 : memref<1x64x128xf32, #tpu.memory_space<vmem>> -> memref<64x128xf32, #tpu.memory_space<vmem>>
        %dma_wait3A_213 = arith.constant 0 : i32
        %dma_wait3A_214 = tpu.memref_slice %arg4[%dma_wait3A_209, %add3A_102, %multiple_of3A_179, %dma_wait3A_213] : memref<2x256x128x128xf32, #tpu.memory_space<hbm>> -> memref<1x1x64x128xf32, #tpu.memory_space<hbm>>
        %dma_wait3A_215 = tpu.memref_squeeze %dma_wait3A_214 : memref<1x1x64x128xf32, #tpu.memory_space<hbm>> -> memref<64x128xf32, #tpu.memory_space<hbm>>
        %dma_wait3A_216 = tpu.memref_slice %arg12[%rem3A_110] : memref<2x!tpu.dma_semaphore, #tpu.memory_space<semaphore_mem>> -> memref<1x!tpu.dma_semaphore, #tpu.memory_space<semaphore_mem>>
        %dma_wait3A_217 = tpu.memref_squeeze %dma_wait3A_216 : memref<1x!tpu.dma_semaphore, #tpu.memory_space<semaphore_mem>> -> memref<!tpu.dma_semaphore, #tpu.memory_space<semaphore_mem>>
        %dma_wait3A_218 = arith.constant 0 : i32
        %dma_wait3A_219 = tpu.memref_slice %arg9[%rem3A_110, %multiple_of3A_179, %dma_wait3A_218] : memref<2x128x128xf32, #tpu.memory_space<vmem>> -> memref<1x64x128xf32, #tpu.memory_space<vmem>>
        %dma_wait3A_220 = tpu.memref_squeeze %dma_wait3A_219 : memref<1x64x128xf32, #tpu.memory_space<vmem>> -> memref<64x128xf32, #tpu.memory_space<vmem>>
        %dma_wait3A_221 = arith.constant 0 : i32
        %dma_wait3A_222 = tpu.memref_slice %arg4[%dma_wait3A_209, %add3A_102, %multiple_of3A_179, %dma_wait3A_221] : memref<2x256x128x128xf32, #tpu.memory_space<hbm>> -> memref<1x1x64x128xf32, #tpu.memory_space<hbm>>
        %dma_wait3A_223 = tpu.memref_squeeze %dma_wait3A_222 : memref<1x1x64x128xf32, #tpu.memory_space<hbm>> -> memref<64x128xf32, #tpu.memory_space<hbm>>
        tpu.wait_dma2 semaphore(%dma_wait3A_217 : memref<!tpu.dma_semaphore, #tpu.memory_space<semaphore_mem>>) src(%dma_wait3A_223 : memref<64x128xf32, #tpu.memory_space<hbm>>) dst(%dma_wait3A_220 : memref<64x128xf32, #tpu.memory_space<vmem>>)
      } else {
      }
      %and3A_125 = arith.constant 32 : i32
      %and3A_126 = arith.andi %and3A_108, %and3A_125 : i32
      %ne3A_127 = arith.constant 0 : i32
      %ne3A_128 = arith.cmpi ne, %and3A_126, %ne3A_127 : i32
      %convert_element_type3A_129 = arith.extui %ne3A_128 : i1 to i32
      %cond3A_130 = arith.constant 0 : i32
      %cond3A_131 = arith.cmpi ne, %convert_element_type3A_129, %cond3A_130 : i32
      scf.if %cond3A_131 {
        %and3A_177 = arith.constant -64 : i32
        %and3A_178 = arith.andi %and3A_108, %and3A_177 : i32
        %multiple_of3A_179 = tpu.assume_multiple %and3A_178, 8 : i32
        %dma_wait3A_180 = arith.constant 0 : i32
        %dma_wait3A_181 = tpu.memref_slice %arg7[%rem3A_110, %multiple_of3A_179, %dma_wait3A_180] : memref<2x128x128xf32, #tpu.memory_space<vmem>> -> memref<1x32x128xf32, #tpu.memory_space<vmem>>
        %dma_wait3A_182 = tpu.memref_squeeze %dma_wait3A_181 : memref<1x32x128xf32, #tpu.memory_space<vmem>> -> memref<32x128xf32, #tpu.memory_space<vmem>>
        %dma_wait3A_183 = arith.constant 0 : i32
        %dma_wait3A_184 = tpu.memref_slice %arg2[%add3A_102, %multiple_of3A_179, %dma_wait3A_183] : memref<256x128x128xf32, #tpu.memory_space<hbm>> -> memref<1x32x128xf32, #tpu.memory_space<hbm>>
        %dma_wait3A_185 = tpu.memref_squeeze %dma_wait3A_184 : memref<1x32x128xf32, #tpu.memory_space<hbm>> -> memref<32x128xf32, #tpu.memory_space<hbm>>
        %dma_wait3A_186 = tpu.memref_slice %arg12[%rem3A_110] : memref<2x!tpu.dma_semaphore, #tpu.memory_space<semaphore_mem>> -> memref<1x!tpu.dma_semaphore, #tpu.memory_space<semaphore_mem>>
        %dma_wait3A_187 = tpu.memref_squeeze %dma_wait3A_186 : memref<1x!tpu.dma_semaphore, #tpu.memory_space<semaphore_mem>> -> memref<!tpu.dma_semaphore, #tpu.memory_space<semaphore_mem>>
        %dma_wait3A_188 = arith.constant 0 : i32
        %dma_wait3A_189 = tpu.memref_slice %arg7[%rem3A_110, %multiple_of3A_179, %dma_wait3A_188] : memref<2x128x128xf32, #tpu.memory_space<vmem>> -> memref<1x32x128xf32, #tpu.memory_space<vmem>>
        %dma_wait3A_190 = tpu.memref_squeeze %dma_wait3A_189 : memref<1x32x128xf32, #tpu.memory_space<vmem>> -> memref<32x128xf32, #tpu.memory_space<vmem>>
        %dma_wait3A_191 = arith.constant 0 : i32
        %dma_wait3A_192 = tpu.memref_slice %arg2[%add3A_102, %multiple_of3A_179, %dma_wait3A_191] : memref<256x128x128xf32, #tpu.memory_space<hbm>> -> memref<1x32x128xf32, #tpu.memory_space<hbm>>
        %dma_wait3A_193 = tpu.memref_squeeze %dma_wait3A_192 : memref<1x32x128xf32, #tpu.memory_space<hbm>> -> memref<32x128xf32, #tpu.memory_space<hbm>>
        tpu.wait_dma2 semaphore(%dma_wait3A_187 : memref<!tpu.dma_semaphore, #tpu.memory_space<semaphore_mem>>) src(%dma_wait3A_193 : memref<32x128xf32, #tpu.memory_space<hbm>>) dst(%dma_wait3A_190 : memref<32x128xf32, #tpu.memory_space<vmem>>)
        %dma_wait3A_194 = arith.constant 0 : i32
        %dma_wait3A_195 = arith.constant 0 : i32
        %dma_wait3A_196 = tpu.memref_slice %arg8[%rem3A_110, %multiple_of3A_179, %dma_wait3A_195] : memref<2x128x128xf32, #tpu.memory_space<vmem>> -> memref<1x32x128xf32, #tpu.memory_space<vmem>>
        %dma_wait3A_197 = tpu.memref_squeeze %dma_wait3A_196 : memref<1x32x128xf32, #tpu.memory_space<vmem>> -> memref<32x128xf32, #tpu.memory_space<vmem>>
        %dma_wait3A_198 = arith.constant 0 : i32
        %dma_wait3A_199 = tpu.memref_slice %arg4[%dma_wait3A_194, %add3A_102, %multiple_of3A_179, %dma_wait3A_198] : memref<2x256x128x128xf32, #tpu.memory_space<hbm>> -> memref<1x1x32x128xf32, #tpu.memory_space<hbm>>
        %dma_wait3A_200 = tpu.memref_squeeze %dma_wait3A_199 : memref<1x1x32x128xf32, #tpu.memory_space<hbm>> -> memref<32x128xf32, #tpu.memory_space<hbm>>
        %dma_wait3A_201 = tpu.memref_slice %arg12[%rem3A_110] : memref<2x!tpu.dma_semaphore, #tpu.memory_space<semaphore_mem>> -> memref<1x!tpu.dma_semaphore, #tpu.memory_space<semaphore_mem>>
        %dma_wait3A_202 = tpu.memref_squeeze %dma_wait3A_201 : memref<1x!tpu.dma_semaphore, #tpu.memory_space<semaphore_mem>> -> memref<!tpu.dma_semaphore, #tpu.memory_space<semaphore_mem>>
        %dma_wait3A_203 = arith.constant 0 : i32
        %dma_wait3A_204 = tpu.memref_slice %arg8[%rem3A_110, %multiple_of3A_179, %dma_wait3A_203] : memref<2x128x128xf32, #tpu.memory_space<vmem>> -> memref<1x32x128xf32, #tpu.memory_space<vmem>>
        %dma_wait3A_205 = tpu.memref_squeeze %dma_wait3A_204 : memref<1x32x128xf32, #tpu.memory_space<vmem>> -> memref<32x128xf32, #tpu.memory_space<vmem>>
        %dma_wait3A_206 = arith.constant 0 : i32
        %dma_wait3A_207 = tpu.memref_slice %arg4[%dma_wait3A_194, %add3A_102, %multiple_of3A_179, %dma_wait3A_206] : memref<2x256x128x128xf32, #tpu.memory_space<hbm>> -> memref<1x1x32x128xf32, #tpu.memory_space<hbm>>
        %dma_wait3A_208 = tpu.memref_squeeze %dma_wait3A_207 : memref<1x1x32x128xf32, #tpu.memory_space<hbm>> -> memref<32x128xf32, #tpu.memory_space<hbm>>
        tpu.wait_dma2 semaphore(%dma_wait3A_202 : memref<!tpu.dma_semaphore, #tpu.memory_space<semaphore_mem>>) src(%dma_wait3A_208 : memref<32x128xf32, #tpu.memory_space<hbm>>) dst(%dma_wait3A_205 : memref<32x128xf32, #tpu.memory_space<vmem>>)
        %dma_wait3A_209 = arith.constant 1 : i32
        %dma_wait3A_210 = arith.constant 0 : i32
        %dma_wait3A_211 = tpu.memref_slice %arg9[%rem3A_110, %multiple_of3A_179, %dma_wait3A_210] : memref<2x128x128xf32, #tpu.memory_space<vmem>> -> memref<1x32x128xf32, #tpu.memory_space<vmem>>
        %dma_wait3A_212 = tpu.memref_squeeze %dma_wait3A_211 : memref<1x32x128xf32, #tpu.memory_space<vmem>> -> memref<32x128xf32, #tpu.memory_space<vmem>>
        %dma_wait3A_213 = arith.constant 0 : i32
        %dma_wait3A_214 = tpu.memref_slice %arg4[%dma_wait3A_209, %add3A_102, %multiple_of3A_179, %dma_wait3A_213] : memref<2x256x128x128xf32, #tpu.memory_space<hbm>> -> memref<1x1x32x128xf32, #tpu.memory_space<hbm>>
        %dma_wait3A_215 = tpu.memref_squeeze %dma_wait3A_214 : memref<1x1x32x128xf32, #tpu.memory_space<hbm>> -> memref<32x128xf32, #tpu.memory_space<hbm>>
        %dma_wait3A_216 = tpu.memref_slice %arg12[%rem3A_110] : memref<2x!tpu.dma_semaphore, #tpu.memory_space<semaphore_mem>> -> memref<1x!tpu.dma_semaphore, #tpu.memory_space<semaphore_mem>>
        %dma_wait3A_217 = tpu.memref_squeeze %dma_wait3A_216 : memref<1x!tpu.dma_semaphore, #tpu.memory_space<semaphore_mem>> -> memref<!tpu.dma_semaphore, #tpu.memory_space<semaphore_mem>>
        %dma_wait3A_218 = arith.constant 0 : i32
        %dma_wait3A_219 = tpu.memref_slice %arg9[%rem3A_110, %multiple_of3A_179, %dma_wait3A_218] : memref<2x128x128xf32, #tpu.memory_space<vmem>> -> memref<1x32x128xf32, #tpu.memory_space<vmem>>
        %dma_wait3A_220 = tpu.memref_squeeze %dma_wait3A_219 : memref<1x32x128xf32, #tpu.memory_space<vmem>> -> memref<32x128xf32, #tpu.memory_space<vmem>>
        %dma_wait3A_221 = arith.constant 0 : i32
        %dma_wait3A_222 = tpu.memref_slice %arg4[%dma_wait3A_209, %add3A_102, %multiple_of3A_179, %dma_wait3A_221] : memref<2x256x128x128xf32, #tpu.memory_space<hbm>> -> memref<1x1x32x128xf32, #tpu.memory_space<hbm>>
        %dma_wait3A_223 = tpu.memref_squeeze %dma_wait3A_222 : memref<1x1x32x128xf32, #tpu.memory_space<hbm>> -> memref<32x128xf32, #tpu.memory_space<hbm>>
        tpu.wait_dma2 semaphore(%dma_wait3A_217 : memref<!tpu.dma_semaphore, #tpu.memory_space<semaphore_mem>>) src(%dma_wait3A_223 : memref<32x128xf32, #tpu.memory_space<hbm>>) dst(%dma_wait3A_220 : memref<32x128xf32, #tpu.memory_space<vmem>>)
      } else {
      }
      %and3A_132 = arith.constant 16 : i32
      %and3A_133 = arith.andi %and3A_108, %and3A_132 : i32
      %ne3A_134 = arith.constant 0 : i32
      %ne3A_135 = arith.cmpi ne, %and3A_133, %ne3A_134 : i32
      %convert_element_type3A_136 = arith.extui %ne3A_135 : i1 to i32
      %cond3A_137 = arith.constant 0 : i32
      %cond3A_138 = arith.cmpi ne, %convert_element_type3A_136, %cond3A_137 : i32
      scf.if %cond3A_138 {
        %and3A_177 = arith.constant -32 : i32
        %and3A_178 = arith.andi %and3A_108, %and3A_177 : i32
        %multiple_of3A_179 = tpu.assume_multiple %and3A_178, 8 : i32
        %dma_wait3A_180 = arith.constant 0 : i32
        %dma_wait3A_181 = tpu.memref_slice %arg7[%rem3A_110, %multiple_of3A_179, %dma_wait3A_180] : memref<2x128x128xf32, #tpu.memory_space<vmem>> -> memref<1x16x128xf32, #tpu.memory_space<vmem>>
        %dma_wait3A_182 = tpu.memref_squeeze %dma_wait3A_181 : memref<1x16x128xf32, #tpu.memory_space<vmem>> -> memref<16x128xf32, #tpu.memory_space<vmem>>
        %dma_wait3A_183 = arith.constant 0 : i32
        %dma_wait3A_184 = tpu.memref_slice %arg2[%add3A_102, %multiple_of3A_179, %dma_wait3A_183] : memref<256x128x128xf32, #tpu.memory_space<hbm>> -> memref<1x16x128xf32, #tpu.memory_space<hbm>>
        %dma_wait3A_185 = tpu.memref_squeeze %dma_wait3A_184 : memref<1x16x128xf32, #tpu.memory_space<hbm>> -> memref<16x128xf32, #tpu.memory_space<hbm>>
        %dma_wait3A_186 = tpu.memref_slice %arg12[%rem3A_110] : memref<2x!tpu.dma_semaphore, #tpu.memory_space<semaphore_mem>> -> memref<1x!tpu.dma_semaphore, #tpu.memory_space<semaphore_mem>>
        %dma_wait3A_187 = tpu.memref_squeeze %dma_wait3A_186 : memref<1x!tpu.dma_semaphore, #tpu.memory_space<semaphore_mem>> -> memref<!tpu.dma_semaphore, #tpu.memory_space<semaphore_mem>>
        %dma_wait3A_188 = arith.constant 0 : i32
        %dma_wait3A_189 = tpu.memref_slice %arg7[%rem3A_110, %multiple_of3A_179, %dma_wait3A_188] : memref<2x128x128xf32, #tpu.memory_space<vmem>> -> memref<1x16x128xf32, #tpu.memory_space<vmem>>
        %dma_wait3A_190 = tpu.memref_squeeze %dma_wait3A_189 : memref<1x16x128xf32, #tpu.memory_space<vmem>> -> memref<16x128xf32, #tpu.memory_space<vmem>>
        %dma_wait3A_191 = arith.constant 0 : i32
        %dma_wait3A_192 = tpu.memref_slice %arg2[%add3A_102, %multiple_of3A_179, %dma_wait3A_191] : memref<256x128x128xf32, #tpu.memory_space<hbm>> -> memref<1x16x128xf32, #tpu.memory_space<hbm>>
        %dma_wait3A_193 = tpu.memref_squeeze %dma_wait3A_192 : memref<1x16x128xf32, #tpu.memory_space<hbm>> -> memref<16x128xf32, #tpu.memory_space<hbm>>
        tpu.wait_dma2 semaphore(%dma_wait3A_187 : memref<!tpu.dma_semaphore, #tpu.memory_space<semaphore_mem>>) src(%dma_wait3A_193 : memref<16x128xf32, #tpu.memory_space<hbm>>) dst(%dma_wait3A_190 : memref<16x128xf32, #tpu.memory_space<vmem>>)
        %dma_wait3A_194 = arith.constant 0 : i32
        %dma_wait3A_195 = arith.constant 0 : i32
        %dma_wait3A_196 = tpu.memref_slice %arg8[%rem3A_110, %multiple_of3A_179, %dma_wait3A_195] : memref<2x128x128xf32, #tpu.memory_space<vmem>> -> memref<1x16x128xf32, #tpu.memory_space<vmem>>
        %dma_wait3A_197 = tpu.memref_squeeze %dma_wait3A_196 : memref<1x16x128xf32, #tpu.memory_space<vmem>> -> memref<16x128xf32, #tpu.memory_space<vmem>>
        %dma_wait3A_198 = arith.constant 0 : i32
        %dma_wait3A_199 = tpu.memref_slice %arg4[%dma_wait3A_194, %add3A_102, %multiple_of3A_179, %dma_wait3A_198] : memref<2x256x128x128xf32, #tpu.memory_space<hbm>> -> memref<1x1x16x128xf32, #tpu.memory_space<hbm>>
        %dma_wait3A_200 = tpu.memref_squeeze %dma_wait3A_199 : memref<1x1x16x128xf32, #tpu.memory_space<hbm>> -> memref<16x128xf32, #tpu.memory_space<hbm>>
        %dma_wait3A_201 = tpu.memref_slice %arg12[%rem3A_110] : memref<2x!tpu.dma_semaphore, #tpu.memory_space<semaphore_mem>> -> memref<1x!tpu.dma_semaphore, #tpu.memory_space<semaphore_mem>>
        %dma_wait3A_202 = tpu.memref_squeeze %dma_wait3A_201 : memref<1x!tpu.dma_semaphore, #tpu.memory_space<semaphore_mem>> -> memref<!tpu.dma_semaphore, #tpu.memory_space<semaphore_mem>>
        %dma_wait3A_203 = arith.constant 0 : i32
        %dma_wait3A_204 = tpu.memref_slice %arg8[%rem3A_110, %multiple_of3A_179, %dma_wait3A_203] : memref<2x128x128xf32, #tpu.memory_space<vmem>> -> memref<1x16x128xf32, #tpu.memory_space<vmem>>
        %dma_wait3A_205 = tpu.memref_squeeze %dma_wait3A_204 : memref<1x16x128xf32, #tpu.memory_space<vmem>> -> memref<16x128xf32, #tpu.memory_space<vmem>>
        %dma_wait3A_206 = arith.constant 0 : i32
        %dma_wait3A_207 = tpu.memref_slice %arg4[%dma_wait3A_194, %add3A_102, %multiple_of3A_179, %dma_wait3A_206] : memref<2x256x128x128xf32, #tpu.memory_space<hbm>> -> memref<1x1x16x128xf32, #tpu.memory_space<hbm>>
        %dma_wait3A_208 = tpu.memref_squeeze %dma_wait3A_207 : memref<1x1x16x128xf32, #tpu.memory_space<hbm>> -> memref<16x128xf32, #tpu.memory_space<hbm>>
        tpu.wait_dma2 semaphore(%dma_wait3A_202 : memref<!tpu.dma_semaphore, #tpu.memory_space<semaphore_mem>>) src(%dma_wait3A_208 : memref<16x128xf32, #tpu.memory_space<hbm>>) dst(%dma_wait3A_205 : memref<16x128xf32, #tpu.memory_space<vmem>>)
        %dma_wait3A_209 = arith.constant 1 : i32
        %dma_wait3A_210 = arith.constant 0 : i32
        %dma_wait3A_211 = tpu.memref_slice %arg9[%rem3A_110, %multiple_of3A_179, %dma_wait3A_210] : memref<2x128x128xf32, #tpu.memory_space<vmem>> -> memref<1x16x128xf32, #tpu.memory_space<vmem>>
        %dma_wait3A_212 = tpu.memref_squeeze %dma_wait3A_211 : memref<1x16x128xf32, #tpu.memory_space<vmem>> -> memref<16x128xf32, #tpu.memory_space<vmem>>
        %dma_wait3A_213 = arith.constant 0 : i32
        %dma_wait3A_214 = tpu.memref_slice %arg4[%dma_wait3A_209, %add3A_102, %multiple_of3A_179, %dma_wait3A_213] : memref<2x256x128x128xf32, #tpu.memory_space<hbm>> -> memref<1x1x16x128xf32, #tpu.memory_space<hbm>>
        %dma_wait3A_215 = tpu.memref_squeeze %dma_wait3A_214 : memref<1x1x16x128xf32, #tpu.memory_space<hbm>> -> memref<16x128xf32, #tpu.memory_space<hbm>>
        %dma_wait3A_216 = tpu.memref_slice %arg12[%rem3A_110] : memref<2x!tpu.dma_semaphore, #tpu.memory_space<semaphore_mem>> -> memref<1x!tpu.dma_semaphore, #tpu.memory_space<semaphore_mem>>
        %dma_wait3A_217 = tpu.memref_squeeze %dma_wait3A_216 : memref<1x!tpu.dma_semaphore, #tpu.memory_space<semaphore_mem>> -> memref<!tpu.dma_semaphore, #tpu.memory_space<semaphore_mem>>
        %dma_wait3A_218 = arith.constant 0 : i32
        %dma_wait3A_219 = tpu.memref_slice %arg9[%rem3A_110, %multiple_of3A_179, %dma_wait3A_218] : memref<2x128x128xf32, #tpu.memory_space<vmem>> -> memref<1x16x128xf32, #tpu.memory_space<vmem>>
        %dma_wait3A_220 = tpu.memref_squeeze %dma_wait3A_219 : memref<1x16x128xf32, #tpu.memory_space<vmem>> -> memref<16x128xf32, #tpu.memory_space<vmem>>
        %dma_wait3A_221 = arith.constant 0 : i32
        %dma_wait3A_222 = tpu.memref_slice %arg4[%dma_wait3A_209, %add3A_102, %multiple_of3A_179, %dma_wait3A_221] : memref<2x256x128x128xf32, #tpu.memory_space<hbm>> -> memref<1x1x16x128xf32, #tpu.memory_space<hbm>>
        %dma_wait3A_223 = tpu.memref_squeeze %dma_wait3A_222 : memref<1x1x16x128xf32, #tpu.memory_space<hbm>> -> memref<16x128xf32, #tpu.memory_space<hbm>>
        tpu.wait_dma2 semaphore(%dma_wait3A_217 : memref<!tpu.dma_semaphore, #tpu.memory_space<semaphore_mem>>) src(%dma_wait3A_223 : memref<16x128xf32, #tpu.memory_space<hbm>>) dst(%dma_wait3A_220 : memref<16x128xf32, #tpu.memory_space<vmem>>)
      } else {
      }
      %ge3A = arith.constant 1 : i32
      %ge3A_139 = arith.cmpi sge, %scan3A_94, %ge3A : i32
      %convert_element_type3A_140 = arith.extui %ge3A_139 : i1 to i32
      %cond3A_141 = arith.constant 0 : i32
      %cond3A_142 = arith.cmpi ne, %convert_element_type3A_140, %cond3A_141 : i32
      scf.if %cond3A_142 {
        %sub3A_177 = arith.constant 1 : i32
        %sub3A_178 = arith.subi %scan3A_94, %sub3A_177 : i32
        %add3A_179 = arith.addi %multiple_of3A, %sub3A_178 : i32
        %dma_wait3A_180 = arith.constant 0 : i32
        %dma_wait3A_181 = arith.constant 0 : i32
        %dma_wait3A_182 = tpu.memref_slice %arg5[%add3A_179, %dma_wait3A_180, %dma_wait3A_181] : memref<256x128x128xf32, #tpu.memory_space<hbm>> -> memref<1x128x128xf32, #tpu.memory_space<hbm>>
        %dma_wait3A_183 = tpu.memref_squeeze %dma_wait3A_182 : memref<1x128x128xf32, #tpu.memory_space<hbm>> -> memref<128x128xf32, #tpu.memory_space<hbm>>
        %dma_wait3A_184 = arith.constant 0 : i32
        %dma_wait3A_185 = arith.constant 0 : i32
        %dma_wait3A_186 = tpu.memref_slice %arg5[%add3A_179, %dma_wait3A_184, %dma_wait3A_185] : memref<256x128x128xf32, #tpu.memory_space<hbm>> -> memref<1x128x128xf32, #tpu.memory_space<hbm>>
        %dma_wait3A_187 = tpu.memref_squeeze %dma_wait3A_186 : memref<1x128x128xf32, #tpu.memory_space<hbm>> -> memref<128x128xf32, #tpu.memory_space<hbm>>
        tpu.wait_dma2 semaphore(%arg13 : memref<!tpu.dma_semaphore, #tpu.memory_space<semaphore_mem>>) src(%arg10 : memref<128x128xf32, #tpu.memory_space<vmem>>) dst(%dma_wait3A_187 : memref<128x128xf32, #tpu.memory_space<hbm>>)
      } else {
      }
      %get3A_143 = arith.index_cast %scan3A_94 : i32 to index
      %get3A_144 = memref.load %arg11[%get3A_143] : memref<8xi32, #tpu.memory_space<smem>>
      %get3A_145 = arith.index_cast %scan3A_94 : i32 to index
      %get3A_146 = memref.load %arg11[%get3A_145] : memref<8xi32, #tpu.memory_space<smem>>
      %add3A_147 = arith.constant 7 : i32
      %add3A_148 = arith.addi %get3A_146, %add3A_147 : i32
      %and3A_149 = arith.constant -8 : i32
      %and3A_150 = arith.andi %add3A_148, %and3A_149 : i32
      %eq3A = arith.constant 0 : i32
      %eq3A_151 = arith.cmpi eq, %scan3A_94, %eq3A : i32
      %sub3A = arith.constant 1 : i32
      %sub3A_152 = arith.subi %scan3A_94, %sub3A : i32
      %add3A_153 = arith.constant 8 : i32
      %add3A_154 = arith.addi %sub3A_152, %add3A_153 : i32
      %rem3A_155 = arith.constant 8 : i32
      %rem3A_156 = arith.remsi %add3A_154, %rem3A_155 : i32
      %get3A_157 = arith.index_cast %rem3A_156 : i32 to index
      %get3A_158 = memref.load %arg11[%get3A_157] : memref<8xi32, #tpu.memory_space<smem>>
      %add3A_159 = arith.constant 7 : i32
      %add3A_160 = arith.addi %get3A_158, %add3A_159 : i32
      %and3A_161 = arith.constant -8 : i32
      %and3A_162 = arith.andi %add3A_160, %and3A_161 : i32
      %jit3A = arith.constant 128 : i32
      %select_n3A = arith.select %eq3A_151, %jit3A, %and3A_162 : i32
      %max3A = arith.maxsi %and3A_150, %select_n3A : i32
      %broadcast_in_dim3A = arith.constant 0.000000e+00 : f32
      %broadcast_in_dim3A_163 = vector.broadcast %broadcast_in_dim3A : f32 to vector<16xf32>
      %parallel_loop3A = arith.constant 1 : i32
      scf.for %parallel_loop3A_177 = %and3A_150 to %max3A step %parallel_loop3A  : i32 {
        %parallel_loop3A_178 = arith.index_cast %parallel_loop3A_177 : i32 to index
        %parallel_loop3A_179 = arith.constant 0 : index
        %parallel_loop3A_180 = tpu.vector_load %arg10[%parallel_loop3A_178, %parallel_loop3A_179] {strides = array<i32>} : memref<128x128xf32, #tpu.memory_space<vmem>>, vector<1x16xf32>,
        %parallel_loop3A_181 = vector.shape_cast %parallel_loop3A_180 : vector<1x16xf32> to vector<16xf32>
        %parallel_loop3A_182 = vector.shape_cast %broadcast_in_dim3A_163 : vector<16xf32> to vector<1x16xf32>
        tpu.vector_store %arg10[%parallel_loop3A_178, %parallel_loop3A_179], %parallel_loop3A_182 {strides = array<i32>} : memref<128x128xf32, #tpu.memory_space<vmem>>, vector<1x16xf32>,
        %parallel_loop3A_183 = arith.index_cast %parallel_loop3A_177 : i32 to index
        %parallel_loop3A_184 = arith.constant 16 : index
        %parallel_loop3A_185 = tpu.vector_load %arg10[%parallel_loop3A_183, %parallel_loop3A_184] {strides = array<i32>} : memref<128x128xf32, #tpu.memory_space<vmem>>, vector<1x16xf32>,
        %parallel_loop3A_186 = vector.shape_cast %parallel_loop3A_185 : vector<1x16xf32> to vector<16xf32>
        %parallel_loop3A_187 = vector.shape_cast %broadcast_in_dim3A_163 : vector<16xf32> to vector<1x16xf32>
        tpu.vector_store %arg10[%parallel_loop3A_183, %parallel_loop3A_184], %parallel_loop3A_187 {strides = array<i32>} : memref<128x128xf32, #tpu.memory_space<vmem>>, vector<1x16xf32>,
        %parallel_loop3A_188 = arith.index_cast %parallel_loop3A_177 : i32 to index
        %parallel_loop3A_189 = arith.constant 32 : index
        %parallel_loop3A_190 = tpu.vector_load %arg10[%parallel_loop3A_188, %parallel_loop3A_189] {strides = array<i32>} : memref<128x128xf32, #tpu.memory_space<vmem>>, vector<1x16xf32>,
        %parallel_loop3A_191 = vector.shape_cast %parallel_loop3A_190 : vector<1x16xf32> to vector<16xf32>
        %parallel_loop3A_192 = vector.shape_cast %broadcast_in_dim3A_163 : vector<16xf32> to vector<1x16xf32>
        tpu.vector_store %arg10[%parallel_loop3A_188, %parallel_loop3A_189], %parallel_loop3A_192 {strides = array<i32>} : memref<128x128xf32, #tpu.memory_space<vmem>>, vector<1x16xf32>,
        %parallel_loop3A_193 = arith.index_cast %parallel_loop3A_177 : i32 to index
        %parallel_loop3A_194 = arith.constant 48 : index
        %parallel_loop3A_195 = tpu.vector_load %arg10[%parallel_loop3A_193, %parallel_loop3A_194] {strides = array<i32>} : memref<128x128xf32, #tpu.memory_space<vmem>>, vector<1x16xf32>,
        %parallel_loop3A_196 = vector.shape_cast %parallel_loop3A_195 : vector<1x16xf32> to vector<16xf32>
        %parallel_loop3A_197 = vector.shape_cast %broadcast_in_dim3A_163 : vector<16xf32> to vector<1x16xf32>
        tpu.vector_store %arg10[%parallel_loop3A_193, %parallel_loop3A_194], %parallel_loop3A_197 {strides = array<i32>} : memref<128x128xf32, #tpu.memory_space<vmem>>, vector<1x16xf32>,
        %parallel_loop3A_198 = arith.index_cast %parallel_loop3A_177 : i32 to index
        %parallel_loop3A_199 = arith.constant 64 : index
        %parallel_loop3A_200 = tpu.vector_load %arg10[%parallel_loop3A_198, %parallel_loop3A_199] {strides = array<i32>} : memref<128x128xf32, #tpu.memory_space<vmem>>, vector<1x16xf32>,
        %parallel_loop3A_201 = vector.shape_cast %parallel_loop3A_200 : vector<1x16xf32> to vector<16xf32>
        %parallel_loop3A_202 = vector.shape_cast %broadcast_in_dim3A_163 : vector<16xf32> to vector<1x16xf32>
        tpu.vector_store %arg10[%parallel_loop3A_198, %parallel_loop3A_199], %parallel_loop3A_202 {strides = array<i32>} : memref<128x128xf32, #tpu.memory_space<vmem>>, vector<1x16xf32>,
        %parallel_loop3A_203 = arith.index_cast %parallel_loop3A_177 : i32 to index
        %parallel_loop3A_204 = arith.constant 80 : index
        %parallel_loop3A_205 = tpu.vector_load %arg10[%parallel_loop3A_203, %parallel_loop3A_204] {strides = array<i32>} : memref<128x128xf32, #tpu.memory_space<vmem>>, vector<1x16xf32>,
        %parallel_loop3A_206 = vector.shape_cast %parallel_loop3A_205 : vector<1x16xf32> to vector<16xf32>
        %parallel_loop3A_207 = vector.shape_cast %broadcast_in_dim3A_163 : vector<16xf32> to vector<1x16xf32>
        tpu.vector_store %arg10[%parallel_loop3A_203, %parallel_loop3A_204], %parallel_loop3A_207 {strides = array<i32>} : memref<128x128xf32, #tpu.memory_space<vmem>>, vector<1x16xf32>,
        %parallel_loop3A_208 = arith.index_cast %parallel_loop3A_177 : i32 to index
        %parallel_loop3A_209 = arith.constant 96 : index
        %parallel_loop3A_210 = tpu.vector_load %arg10[%parallel_loop3A_208, %parallel_loop3A_209] {strides = array<i32>} : memref<128x128xf32, #tpu.memory_space<vmem>>, vector<1x16xf32>,
        %parallel_loop3A_211 = vector.shape_cast %parallel_loop3A_210 : vector<1x16xf32> to vector<16xf32>
        %parallel_loop3A_212 = vector.shape_cast %broadcast_in_dim3A_163 : vector<16xf32> to vector<1x16xf32>
        tpu.vector_store %arg10[%parallel_loop3A_208, %parallel_loop3A_209], %parallel_loop3A_212 {strides = array<i32>} : memref<128x128xf32, #tpu.memory_space<vmem>>, vector<1x16xf32>,
        %parallel_loop3A_213 = arith.index_cast %parallel_loop3A_177 : i32 to index
        %parallel_loop3A_214 = arith.constant 112 : index
        %parallel_loop3A_215 = tpu.vector_load %arg10[%parallel_loop3A_213, %parallel_loop3A_214] {strides = array<i32>} : memref<128x128xf32, #tpu.memory_space<vmem>>, vector<1x16xf32>,
        %parallel_loop3A_216 = vector.shape_cast %parallel_loop3A_215 : vector<1x16xf32> to vector<16xf32>
        %parallel_loop3A_217 = vector.shape_cast %broadcast_in_dim3A_163 : vector<16xf32> to vector<1x16xf32>
        tpu.vector_store %arg10[%parallel_loop3A_213, %parallel_loop3A_214], %parallel_loop3A_217 {strides = array<i32>} : memref<128x128xf32, #tpu.memory_space<vmem>>, vector<1x16xf32>,
      } {sc.loop_unroll_factor = 4 : i64, sc.parallel_access}
      %rem3A_164 = arith.constant 2 : i32
      %rem3A_165 = arith.remsi %scan3A_94, %rem3A_164 : i32
      %parallel_loop3A_166 = arith.constant 0 : i32
      %parallel_loop3A_167 = arith.constant 1 : i32
      scf.for %parallel_loop3A_177 = %parallel_loop3A_166 to %and3A_150 step %parallel_loop3A_167  : i32 {
        %parallel_loop3A_178 = arith.cmpi slt, %parallel_loop3A_177, %get3A_144 : i32
        %parallel_loop3A_179 = arith.index_cast %rem3A_165 : i32 to index
        %parallel_loop3A_180 = arith.index_cast %parallel_loop3A_177 : i32 to index
        %parallel_loop3A_181 = arith.constant 0 : index
        %parallel_loop3A_182 = tpu.vector_load %arg7[%parallel_loop3A_179, %parallel_loop3A_180, %parallel_loop3A_181] {strides = array<i32>} : memref<2x128x128xf32, #tpu.memory_space<vmem>>, vector<1x1x16xf32>,
        %parallel_loop3A_183 = vector.shape_cast %parallel_loop3A_182 : vector<1x1x16xf32> to vector<16xf32>
        %parallel_loop3A_184 = arith.index_cast %rem3A_165 : i32 to index
        %parallel_loop3A_185 = arith.index_cast %parallel_loop3A_177 : i32 to index
        %parallel_loop3A_186 = arith.constant 0 : index
        %parallel_loop3A_187 = tpu.vector_load %arg8[%parallel_loop3A_184, %parallel_loop3A_185, %parallel_loop3A_186] {strides = array<i32>} : memref<2x128x128xf32, #tpu.memory_space<vmem>>, vector<1x1x16xf32>,
        %parallel_loop3A_188 = vector.shape_cast %parallel_loop3A_187 : vector<1x1x16xf32> to vector<16xf32>
        %parallel_loop3A_189 = arith.addf %parallel_loop3A_183, %parallel_loop3A_188 : vector<16xf32>
        %parallel_loop3A_190 = arith.index_cast %rem3A_165 : i32 to index
        %parallel_loop3A_191 = arith.index_cast %parallel_loop3A_177 : i32 to index
        %parallel_loop3A_192 = arith.constant 0 : index
        %parallel_loop3A_193 = tpu.vector_load %arg9[%parallel_loop3A_190, %parallel_loop3A_191, %parallel_loop3A_192] {strides = array<i32>} : memref<2x128x128xf32, #tpu.memory_space<vmem>>, vector<1x1x16xf32>,
        %parallel_loop3A_194 = vector.shape_cast %parallel_loop3A_193 : vector<1x1x16xf32> to vector<16xf32>
        %parallel_loop3A_195 = arith.addf %parallel_loop3A_189, %parallel_loop3A_194 : vector<16xf32>
        %parallel_loop3A_196 = arith.constant 0.000000e+00 : f32
        %parallel_loop3A_197 = vector.broadcast %parallel_loop3A_196 : f32 to vector<16xf32>
        %parallel_loop3A_198 = arith.maximumf %parallel_loop3A_195, %parallel_loop3A_197 : vector<16xf32>
        %parallel_loop3A_199 = arith.constant 0.000000e+00 : f32
        %parallel_loop3A_200 = vector.broadcast %parallel_loop3A_199 : f32 to vector<16xf32>
        %parallel_loop3A_201 = arith.select %parallel_loop3A_178, %parallel_loop3A_198, %parallel_loop3A_200 : vector<16xf32>
        %parallel_loop3A_202 = arith.index_cast %parallel_loop3A_177 : i32 to index
        %parallel_loop3A_203 = arith.constant 0 : index
        %parallel_loop3A_204 = tpu.vector_load %arg10[%parallel_loop3A_202, %parallel_loop3A_203] {strides = array<i32>} : memref<128x128xf32, #tpu.memory_space<vmem>>, vector<1x16xf32>,
        %parallel_loop3A_205 = vector.shape_cast %parallel_loop3A_204 : vector<1x16xf32> to vector<16xf32>
        %parallel_loop3A_206 = vector.shape_cast %parallel_loop3A_201 : vector<16xf32> to vector<1x16xf32>
        tpu.vector_store %arg10[%parallel_loop3A_202, %parallel_loop3A_203], %parallel_loop3A_206 {strides = array<i32>} : memref<128x128xf32, #tpu.memory_space<vmem>>, vector<1x16xf32>,
        %parallel_loop3A_207 = arith.index_cast %rem3A_165 : i32 to index
        %parallel_loop3A_208 = arith.index_cast %parallel_loop3A_177 : i32 to index
        %parallel_loop3A_209 = arith.constant 16 : index
        %parallel_loop3A_210 = tpu.vector_load %arg7[%parallel_loop3A_207, %parallel_loop3A_208, %parallel_loop3A_209] {strides = array<i32>} : memref<2x128x128xf32, #tpu.memory_space<vmem>>, vector<1x1x16xf32>,
        %parallel_loop3A_211 = vector.shape_cast %parallel_loop3A_210 : vector<1x1x16xf32> to vector<16xf32>
        %parallel_loop3A_212 = arith.index_cast %rem3A_165 : i32 to index
        %parallel_loop3A_213 = arith.index_cast %parallel_loop3A_177 : i32 to index
        %parallel_loop3A_214 = arith.constant 16 : index
        %parallel_loop3A_215 = tpu.vector_load %arg8[%parallel_loop3A_212, %parallel_loop3A_213, %parallel_loop3A_214] {strides = array<i32>} : memref<2x128x128xf32, #tpu.memory_space<vmem>>, vector<1x1x16xf32>,
        %parallel_loop3A_216 = vector.shape_cast %parallel_loop3A_215 : vector<1x1x16xf32> to vector<16xf32>
        %parallel_loop3A_217 = arith.addf %parallel_loop3A_211, %parallel_loop3A_216 : vector<16xf32>
        %parallel_loop3A_218 = arith.index_cast %rem3A_165 : i32 to index
        %parallel_loop3A_219 = arith.index_cast %parallel_loop3A_177 : i32 to index
        %parallel_loop3A_220 = arith.constant 16 : index
        %parallel_loop3A_221 = tpu.vector_load %arg9[%parallel_loop3A_218, %parallel_loop3A_219, %parallel_loop3A_220] {strides = array<i32>} : memref<2x128x128xf32, #tpu.memory_space<vmem>>, vector<1x1x16xf32>,
        %parallel_loop3A_222 = vector.shape_cast %parallel_loop3A_221 : vector<1x1x16xf32> to vector<16xf32>
        %parallel_loop3A_223 = arith.addf %parallel_loop3A_217, %parallel_loop3A_222 : vector<16xf32>
        %parallel_loop3A_224 = arith.constant 0.000000e+00 : f32
        %parallel_loop3A_225 = vector.broadcast %parallel_loop3A_224 : f32 to vector<16xf32>
        %parallel_loop3A_226 = arith.maximumf %parallel_loop3A_223, %parallel_loop3A_225 : vector<16xf32>
        %parallel_loop3A_227 = arith.constant 0.000000e+00 : f32
        %parallel_loop3A_228 = vector.broadcast %parallel_loop3A_227 : f32 to vector<16xf32>
        %parallel_loop3A_229 = arith.select %parallel_loop3A_178, %parallel_loop3A_226, %parallel_loop3A_228 : vector<16xf32>
        %parallel_loop3A_230 = arith.index_cast %parallel_loop3A_177 : i32 to index
        %parallel_loop3A_231 = arith.constant 16 : index
        %parallel_loop3A_232 = tpu.vector_load %arg10[%parallel_loop3A_230, %parallel_loop3A_231] {strides = array<i32>} : memref<128x128xf32, #tpu.memory_space<vmem>>, vector<1x16xf32>,
        %parallel_loop3A_233 = vector.shape_cast %parallel_loop3A_232 : vector<1x16xf32> to vector<16xf32>
        %parallel_loop3A_234 = vector.shape_cast %parallel_loop3A_229 : vector<16xf32> to vector<1x16xf32>
        tpu.vector_store %arg10[%parallel_loop3A_230, %parallel_loop3A_231], %parallel_loop3A_234 {strides = array<i32>} : memref<128x128xf32, #tpu.memory_space<vmem>>, vector<1x16xf32>,
        %parallel_loop3A_235 = arith.index_cast %rem3A_165 : i32 to index
        %parallel_loop3A_236 = arith.index_cast %parallel_loop3A_177 : i32 to index
        %parallel_loop3A_237 = arith.constant 32 : index
        %parallel_loop3A_238 = tpu.vector_load %arg7[%parallel_loop3A_235, %parallel_loop3A_236, %parallel_loop3A_237] {strides = array<i32>} : memref<2x128x128xf32, #tpu.memory_space<vmem>>, vector<1x1x16xf32>,
        %parallel_loop3A_239 = vector.shape_cast %parallel_loop3A_238 : vector<1x1x16xf32> to vector<16xf32>
        %parallel_loop3A_240 = arith.index_cast %rem3A_165 : i32 to index
        %parallel_loop3A_241 = arith.index_cast %parallel_loop3A_177 : i32 to index
        %parallel_loop3A_242 = arith.constant 32 : index
        %parallel_loop3A_243 = tpu.vector_load %arg8[%parallel_loop3A_240, %parallel_loop3A_241, %parallel_loop3A_242] {strides = array<i32>} : memref<2x128x128xf32, #tpu.memory_space<vmem>>, vector<1x1x16xf32>,
        %parallel_loop3A_244 = vector.shape_cast %parallel_loop3A_243 : vector<1x1x16xf32> to vector<16xf32>
        %parallel_loop3A_245 = arith.addf %parallel_loop3A_239, %parallel_loop3A_244 : vector<16xf32>
        %parallel_loop3A_246 = arith.index_cast %rem3A_165 : i32 to index
        %parallel_loop3A_247 = arith.index_cast %parallel_loop3A_177 : i32 to index
        %parallel_loop3A_248 = arith.constant 32 : index
        %parallel_loop3A_249 = tpu.vector_load %arg9[%parallel_loop3A_246, %parallel_loop3A_247, %parallel_loop3A_248] {strides = array<i32>} : memref<2x128x128xf32, #tpu.memory_space<vmem>>, vector<1x1x16xf32>,
        %parallel_loop3A_250 = vector.shape_cast %parallel_loop3A_249 : vector<1x1x16xf32> to vector<16xf32>
        %parallel_loop3A_251 = arith.addf %parallel_loop3A_245, %parallel_loop3A_250 : vector<16xf32>
        %parallel_loop3A_252 = arith.constant 0.000000e+00 : f32
        %parallel_loop3A_253 = vector.broadcast %parallel_loop3A_252 : f32 to vector<16xf32>
        %parallel_loop3A_254 = arith.maximumf %parallel_loop3A_251, %parallel_loop3A_253 : vector<16xf32>
        %parallel_loop3A_255 = arith.constant 0.000000e+00 : f32
        %parallel_loop3A_256 = vector.broadcast %parallel_loop3A_255 : f32 to vector<16xf32>
        %parallel_loop3A_257 = arith.select %parallel_loop3A_178, %parallel_loop3A_254, %parallel_loop3A_256 : vector<16xf32>
        %parallel_loop3A_258 = arith.index_cast %parallel_loop3A_177 : i32 to index
        %parallel_loop3A_259 = arith.constant 32 : index
        %parallel_loop3A_260 = tpu.vector_load %arg10[%parallel_loop3A_258, %parallel_loop3A_259] {strides = array<i32>} : memref<128x128xf32, #tpu.memory_space<vmem>>, vector<1x16xf32>,
        %parallel_loop3A_261 = vector.shape_cast %parallel_loop3A_260 : vector<1x16xf32> to vector<16xf32>
        %parallel_loop3A_262 = vector.shape_cast %parallel_loop3A_257 : vector<16xf32> to vector<1x16xf32>
        tpu.vector_store %arg10[%parallel_loop3A_258, %parallel_loop3A_259], %parallel_loop3A_262 {strides = array<i32>} : memref<128x128xf32, #tpu.memory_space<vmem>>, vector<1x16xf32>,
        %parallel_loop3A_263 = arith.index_cast %rem3A_165 : i32 to index
        %parallel_loop3A_264 = arith.index_cast %parallel_loop3A_177 : i32 to index
        %parallel_loop3A_265 = arith.constant 48 : index
        %parallel_loop3A_266 = tpu.vector_load %arg7[%parallel_loop3A_263, %parallel_loop3A_264, %parallel_loop3A_265] {strides = array<i32>} : memref<2x128x128xf32, #tpu.memory_space<vmem>>, vector<1x1x16xf32>,
        %parallel_loop3A_267 = vector.shape_cast %parallel_loop3A_266 : vector<1x1x16xf32> to vector<16xf32>
        %parallel_loop3A_268 = arith.index_cast %rem3A_165 : i32 to index
        %parallel_loop3A_269 = arith.index_cast %parallel_loop3A_177 : i32 to index
        %parallel_loop3A_270 = arith.constant 48 : index
        %parallel_loop3A_271 = tpu.vector_load %arg8[%parallel_loop3A_268, %parallel_loop3A_269, %parallel_loop3A_270] {strides = array<i32>} : memref<2x128x128xf32, #tpu.memory_space<vmem>>, vector<1x1x16xf32>,
        %parallel_loop3A_272 = vector.shape_cast %parallel_loop3A_271 : vector<1x1x16xf32> to vector<16xf32>
        %parallel_loop3A_273 = arith.addf %parallel_loop3A_267, %parallel_loop3A_272 : vector<16xf32>
        %parallel_loop3A_274 = arith.index_cast %rem3A_165 : i32 to index
        %parallel_loop3A_275 = arith.index_cast %parallel_loop3A_177 : i32 to index
        %parallel_loop3A_276 = arith.constant 48 : index
        %parallel_loop3A_277 = tpu.vector_load %arg9[%parallel_loop3A_274, %parallel_loop3A_275, %parallel_loop3A_276] {strides = array<i32>} : memref<2x128x128xf32, #tpu.memory_space<vmem>>, vector<1x1x16xf32>,
        %parallel_loop3A_278 = vector.shape_cast %parallel_loop3A_277 : vector<1x1x16xf32> to vector<16xf32>
        %parallel_loop3A_279 = arith.addf %parallel_loop3A_273, %parallel_loop3A_278 : vector<16xf32>
        %parallel_loop3A_280 = arith.constant 0.000000e+00 : f32
        %parallel_loop3A_281 = vector.broadcast %parallel_loop3A_280 : f32 to vector<16xf32>
        %parallel_loop3A_282 = arith.maximumf %parallel_loop3A_279, %parallel_loop3A_281 : vector<16xf32>
        %parallel_loop3A_283 = arith.constant 0.000000e+00 : f32
        %parallel_loop3A_284 = vector.broadcast %parallel_loop3A_283 : f32 to vector<16xf32>
        %parallel_loop3A_285 = arith.select %parallel_loop3A_178, %parallel_loop3A_282, %parallel_loop3A_284 : vector<16xf32>
        %parallel_loop3A_286 = arith.index_cast %parallel_loop3A_177 : i32 to index
        %parallel_loop3A_287 = arith.constant 48 : index
        %parallel_loop3A_288 = tpu.vector_load %arg10[%parallel_loop3A_286, %parallel_loop3A_287] {strides = array<i32>} : memref<128x128xf32, #tpu.memory_space<vmem>>, vector<1x16xf32>,
        %parallel_loop3A_289 = vector.shape_cast %parallel_loop3A_288 : vector<1x16xf32> to vector<16xf32>
        %parallel_loop3A_290 = vector.shape_cast %parallel_loop3A_285 : vector<16xf32> to vector<1x16xf32>
        tpu.vector_store %arg10[%parallel_loop3A_286, %parallel_loop3A_287], %parallel_loop3A_290 {strides = array<i32>} : memref<128x128xf32, #tpu.memory_space<vmem>>, vector<1x16xf32>,
        %parallel_loop3A_291 = arith.index_cast %rem3A_165 : i32 to index
        %parallel_loop3A_292 = arith.index_cast %parallel_loop3A_177 : i32 to index
        %parallel_loop3A_293 = arith.constant 64 : index
        %parallel_loop3A_294 = tpu.vector_load %arg7[%parallel_loop3A_291, %parallel_loop3A_292, %parallel_loop3A_293] {strides = array<i32>} : memref<2x128x128xf32, #tpu.memory_space<vmem>>, vector<1x1x16xf32>,
        %parallel_loop3A_295 = vector.shape_cast %parallel_loop3A_294 : vector<1x1x16xf32> to vector<16xf32>
        %parallel_loop3A_296 = arith.index_cast %rem3A_165 : i32 to index
        %parallel_loop3A_297 = arith.index_cast %parallel_loop3A_177 : i32 to index
        %parallel_loop3A_298 = arith.constant 64 : index
        %parallel_loop3A_299 = tpu.vector_load %arg8[%parallel_loop3A_296, %parallel_loop3A_297, %parallel_loop3A_298] {strides = array<i32>} : memref<2x128x128xf32, #tpu.memory_space<vmem>>, vector<1x1x16xf32>,
        %parallel_loop3A_300 = vector.shape_cast %parallel_loop3A_299 : vector<1x1x16xf32> to vector<16xf32>
        %parallel_loop3A_301 = arith.addf %parallel_loop3A_295, %parallel_loop3A_300 : vector<16xf32>
        %parallel_loop3A_302 = arith.index_cast %rem3A_165 : i32 to index
        %parallel_loop3A_303 = arith.index_cast %parallel_loop3A_177 : i32 to index
        %parallel_loop3A_304 = arith.constant 64 : index
        %parallel_loop3A_305 = tpu.vector_load %arg9[%parallel_loop3A_302, %parallel_loop3A_303, %parallel_loop3A_304] {strides = array<i32>} : memref<2x128x128xf32, #tpu.memory_space<vmem>>, vector<1x1x16xf32>,
        %parallel_loop3A_306 = vector.shape_cast %parallel_loop3A_305 : vector<1x1x16xf32> to vector<16xf32>
        %parallel_loop3A_307 = arith.addf %parallel_loop3A_301, %parallel_loop3A_306 : vector<16xf32>
        %parallel_loop3A_308 = arith.constant 0.000000e+00 : f32
        %parallel_loop3A_309 = vector.broadcast %parallel_loop3A_308 : f32 to vector<16xf32>
        %parallel_loop3A_310 = arith.maximumf %parallel_loop3A_307, %parallel_loop3A_309 : vector<16xf32>
        %parallel_loop3A_311 = arith.constant 0.000000e+00 : f32
        %parallel_loop3A_312 = vector.broadcast %parallel_loop3A_311 : f32 to vector<16xf32>
        %parallel_loop3A_313 = arith.select %parallel_loop3A_178, %parallel_loop3A_310, %parallel_loop3A_312 : vector<16xf32>
        %parallel_loop3A_314 = arith.index_cast %parallel_loop3A_177 : i32 to index
        %parallel_loop3A_315 = arith.constant 64 : index
        %parallel_loop3A_316 = tpu.vector_load %arg10[%parallel_loop3A_314, %parallel_loop3A_315] {strides = array<i32>} : memref<128x128xf32, #tpu.memory_space<vmem>>, vector<1x16xf32>,
        %parallel_loop3A_317 = vector.shape_cast %parallel_loop3A_316 : vector<1x16xf32> to vector<16xf32>
        %parallel_loop3A_318 = vector.shape_cast %parallel_loop3A_313 : vector<16xf32> to vector<1x16xf32>
        tpu.vector_store %arg10[%parallel_loop3A_314, %parallel_loop3A_315], %parallel_loop3A_318 {strides = array<i32>} : memref<128x128xf32, #tpu.memory_space<vmem>>, vector<1x16xf32>,
        %parallel_loop3A_319 = arith.index_cast %rem3A_165 : i32 to index
        %parallel_loop3A_320 = arith.index_cast %parallel_loop3A_177 : i32 to index
        %parallel_loop3A_321 = arith.constant 80 : index
        %parallel_loop3A_322 = tpu.vector_load %arg7[%parallel_loop3A_319, %parallel_loop3A_320, %parallel_loop3A_321] {strides = array<i32>} : memref<2x128x128xf32, #tpu.memory_space<vmem>>, vector<1x1x16xf32>,
        %parallel_loop3A_323 = vector.shape_cast %parallel_loop3A_322 : vector<1x1x16xf32> to vector<16xf32>
        %parallel_loop3A_324 = arith.index_cast %rem3A_165 : i32 to index
        %parallel_loop3A_325 = arith.index_cast %parallel_loop3A_177 : i32 to index
        %parallel_loop3A_326 = arith.constant 80 : index
        %parallel_loop3A_327 = tpu.vector_load %arg8[%parallel_loop3A_324, %parallel_loop3A_325, %parallel_loop3A_326] {strides = array<i32>} : memref<2x128x128xf32, #tpu.memory_space<vmem>>, vector<1x1x16xf32>,
        %parallel_loop3A_328 = vector.shape_cast %parallel_loop3A_327 : vector<1x1x16xf32> to vector<16xf32>
        %parallel_loop3A_329 = arith.addf %parallel_loop3A_323, %parallel_loop3A_328 : vector<16xf32>
        %parallel_loop3A_330 = arith.index_cast %rem3A_165 : i32 to index
        %parallel_loop3A_331 = arith.index_cast %parallel_loop3A_177 : i32 to index
        %parallel_loop3A_332 = arith.constant 80 : index
        %parallel_loop3A_333 = tpu.vector_load %arg9[%parallel_loop3A_330, %parallel_loop3A_331, %parallel_loop3A_332] {strides = array<i32>} : memref<2x128x128xf32, #tpu.memory_space<vmem>>, vector<1x1x16xf32>,
        %parallel_loop3A_334 = vector.shape_cast %parallel_loop3A_333 : vector<1x1x16xf32> to vector<16xf32>
        %parallel_loop3A_335 = arith.addf %parallel_loop3A_329, %parallel_loop3A_334 : vector<16xf32>
        %parallel_loop3A_336 = arith.constant 0.000000e+00 : f32
        %parallel_loop3A_337 = vector.broadcast %parallel_loop3A_336 : f32 to vector<16xf32>
        %parallel_loop3A_338 = arith.maximumf %parallel_loop3A_335, %parallel_loop3A_337 : vector<16xf32>
        %parallel_loop3A_339 = arith.constant 0.000000e+00 : f32
        %parallel_loop3A_340 = vector.broadcast %parallel_loop3A_339 : f32 to vector<16xf32>
        %parallel_loop3A_341 = arith.select %parallel_loop3A_178, %parallel_loop3A_338, %parallel_loop3A_340 : vector<16xf32>
        %parallel_loop3A_342 = arith.index_cast %parallel_loop3A_177 : i32 to index
        %parallel_loop3A_343 = arith.constant 80 : index
        %parallel_loop3A_344 = tpu.vector_load %arg10[%parallel_loop3A_342, %parallel_loop3A_343] {strides = array<i32>} : memref<128x128xf32, #tpu.memory_space<vmem>>, vector<1x16xf32>,
        %parallel_loop3A_345 = vector.shape_cast %parallel_loop3A_344 : vector<1x16xf32> to vector<16xf32>
        %parallel_loop3A_346 = vector.shape_cast %parallel_loop3A_341 : vector<16xf32> to vector<1x16xf32>
        tpu.vector_store %arg10[%parallel_loop3A_342, %parallel_loop3A_343], %parallel_loop3A_346 {strides = array<i32>} : memref<128x128xf32, #tpu.memory_space<vmem>>, vector<1x16xf32>,
        %parallel_loop3A_347 = arith.index_cast %rem3A_165 : i32 to index
        %parallel_loop3A_348 = arith.index_cast %parallel_loop3A_177 : i32 to index
        %parallel_loop3A_349 = arith.constant 96 : index
        %parallel_loop3A_350 = tpu.vector_load %arg7[%parallel_loop3A_347, %parallel_loop3A_348, %parallel_loop3A_349] {strides = array<i32>} : memref<2x128x128xf32, #tpu.memory_space<vmem>>, vector<1x1x16xf32>,
        %parallel_loop3A_351 = vector.shape_cast %parallel_loop3A_350 : vector<1x1x16xf32> to vector<16xf32>
        %parallel_loop3A_352 = arith.index_cast %rem3A_165 : i32 to index
        %parallel_loop3A_353 = arith.index_cast %parallel_loop3A_177 : i32 to index
        %parallel_loop3A_354 = arith.constant 96 : index
        %parallel_loop3A_355 = tpu.vector_load %arg8[%parallel_loop3A_352, %parallel_loop3A_353, %parallel_loop3A_354] {strides = array<i32>} : memref<2x128x128xf32, #tpu.memory_space<vmem>>, vector<1x1x16xf32>,
        %parallel_loop3A_356 = vector.shape_cast %parallel_loop3A_355 : vector<1x1x16xf32> to vector<16xf32>
        %parallel_loop3A_357 = arith.addf %parallel_loop3A_351, %parallel_loop3A_356 : vector<16xf32>
        %parallel_loop3A_358 = arith.index_cast %rem3A_165 : i32 to index
        %parallel_loop3A_359 = arith.index_cast %parallel_loop3A_177 : i32 to index
        %parallel_loop3A_360 = arith.constant 96 : index
        %parallel_loop3A_361 = tpu.vector_load %arg9[%parallel_loop3A_358, %parallel_loop3A_359, %parallel_loop3A_360] {strides = array<i32>} : memref<2x128x128xf32, #tpu.memory_space<vmem>>, vector<1x1x16xf32>,
        %parallel_loop3A_362 = vector.shape_cast %parallel_loop3A_361 : vector<1x1x16xf32> to vector<16xf32>
        %parallel_loop3A_363 = arith.addf %parallel_loop3A_357, %parallel_loop3A_362 : vector<16xf32>
        %parallel_loop3A_364 = arith.constant 0.000000e+00 : f32
        %parallel_loop3A_365 = vector.broadcast %parallel_loop3A_364 : f32 to vector<16xf32>
        %parallel_loop3A_366 = arith.maximumf %parallel_loop3A_363, %parallel_loop3A_365 : vector<16xf32>
        %parallel_loop3A_367 = arith.constant 0.000000e+00 : f32
        %parallel_loop3A_368 = vector.broadcast %parallel_loop3A_367 : f32 to vector<16xf32>
        %parallel_loop3A_369 = arith.select %parallel_loop3A_178, %parallel_loop3A_366, %parallel_loop3A_368 : vector<16xf32>
        %parallel_loop3A_370 = arith.index_cast %parallel_loop3A_177 : i32 to index
        %parallel_loop3A_371 = arith.constant 96 : index
        %parallel_loop3A_372 = tpu.vector_load %arg10[%parallel_loop3A_370, %parallel_loop3A_371] {strides = array<i32>} : memref<128x128xf32, #tpu.memory_space<vmem>>, vector<1x16xf32>,
        %parallel_loop3A_373 = vector.shape_cast %parallel_loop3A_372 : vector<1x16xf32> to vector<16xf32>
        %parallel_loop3A_374 = vector.shape_cast %parallel_loop3A_369 : vector<16xf32> to vector<1x16xf32>
        tpu.vector_store %arg10[%parallel_loop3A_370, %parallel_loop3A_371], %parallel_loop3A_374 {strides = array<i32>} : memref<128x128xf32, #tpu.memory_space<vmem>>, vector<1x16xf32>,
        %parallel_loop3A_375 = arith.index_cast %rem3A_165 : i32 to index
        %parallel_loop3A_376 = arith.index_cast %parallel_loop3A_177 : i32 to index
        %parallel_loop3A_377 = arith.constant 112 : index
        %parallel_loop3A_378 = tpu.vector_load %arg7[%parallel_loop3A_375, %parallel_loop3A_376, %parallel_loop3A_377] {strides = array<i32>} : memref<2x128x128xf32, #tpu.memory_space<vmem>>, vector<1x1x16xf32>,
        %parallel_loop3A_379 = vector.shape_cast %parallel_loop3A_378 : vector<1x1x16xf32> to vector<16xf32>
        %parallel_loop3A_380 = arith.index_cast %rem3A_165 : i32 to index
        %parallel_loop3A_381 = arith.index_cast %parallel_loop3A_177 : i32 to index
        %parallel_loop3A_382 = arith.constant 112 : index
        %parallel_loop3A_383 = tpu.vector_load %arg8[%parallel_loop3A_380, %parallel_loop3A_381, %parallel_loop3A_382] {strides = array<i32>} : memref<2x128x128xf32, #tpu.memory_space<vmem>>, vector<1x1x16xf32>,
        %parallel_loop3A_384 = vector.shape_cast %parallel_loop3A_383 : vector<1x1x16xf32> to vector<16xf32>
        %parallel_loop3A_385 = arith.addf %parallel_loop3A_379, %parallel_loop3A_384 : vector<16xf32>
        %parallel_loop3A_386 = arith.index_cast %rem3A_165 : i32 to index
        %parallel_loop3A_387 = arith.index_cast %parallel_loop3A_177 : i32 to index
        %parallel_loop3A_388 = arith.constant 112 : index
        %parallel_loop3A_389 = tpu.vector_load %arg9[%parallel_loop3A_386, %parallel_loop3A_387, %parallel_loop3A_388] {strides = array<i32>} : memref<2x128x128xf32, #tpu.memory_space<vmem>>, vector<1x1x16xf32>,
        %parallel_loop3A_390 = vector.shape_cast %parallel_loop3A_389 : vector<1x1x16xf32> to vector<16xf32>
        %parallel_loop3A_391 = arith.addf %parallel_loop3A_385, %parallel_loop3A_390 : vector<16xf32>
        %parallel_loop3A_392 = arith.constant 0.000000e+00 : f32
        %parallel_loop3A_393 = vector.broadcast %parallel_loop3A_392 : f32 to vector<16xf32>
        %parallel_loop3A_394 = arith.maximumf %parallel_loop3A_391, %parallel_loop3A_393 : vector<16xf32>
        %parallel_loop3A_395 = arith.constant 0.000000e+00 : f32
        %parallel_loop3A_396 = vector.broadcast %parallel_loop3A_395 : f32 to vector<16xf32>
        %parallel_loop3A_397 = arith.select %parallel_loop3A_178, %parallel_loop3A_394, %parallel_loop3A_396 : vector<16xf32>
        %parallel_loop3A_398 = arith.index_cast %parallel_loop3A_177 : i32 to index
        %parallel_loop3A_399 = arith.constant 112 : index
        %parallel_loop3A_400 = tpu.vector_load %arg10[%parallel_loop3A_398, %parallel_loop3A_399] {strides = array<i32>} : memref<128x128xf32, #tpu.memory_space<vmem>>, vector<1x16xf32>,
        %parallel_loop3A_401 = vector.shape_cast %parallel_loop3A_400 : vector<1x16xf32> to vector<16xf32>
        %parallel_loop3A_402 = vector.shape_cast %parallel_loop3A_397 : vector<16xf32> to vector<1x16xf32>
        tpu.vector_store %arg10[%parallel_loop3A_398, %parallel_loop3A_399], %parallel_loop3A_402 {strides = array<i32>} : memref<128x128xf32, #tpu.memory_space<vmem>>, vector<1x16xf32>,
      } {sc.loop_unroll_factor = 8 : i64, sc.parallel_access}
      %add3A_168 = arith.addi %multiple_of3A, %scan3A_94 : i32
      %dma_start3A = arith.constant 0 : i32
      %dma_start3A_169 = arith.constant 0 : i32
      %dma_start3A_170 = tpu.memref_slice %arg5[%add3A_168, %dma_start3A, %dma_start3A_169] : memref<256x128x128xf32, #tpu.memory_space<hbm>> -> memref<1x128x128xf32, #tpu.memory_space<hbm>>
      %dma_start3A_171 = tpu.memref_squeeze %dma_start3A_170 : memref<1x128x128xf32, #tpu.memory_space<hbm>> -> memref<128x128xf32, #tpu.memory_space<hbm>>
      %dma_start3A_172 = arith.constant 0 : i32
      %dma_start3A_173 = arith.constant 0 : i32
      %dma_start3A_174 = tpu.memref_slice %arg5[%add3A_168, %dma_start3A_172, %dma_start3A_173] : memref<256x128x128xf32, #tpu.memory_space<hbm>> -> memref<1x128x128xf32, #tpu.memory_space<hbm>>
      %dma_start3A_175 = tpu.memref_squeeze %dma_start3A_174 : memref<1x128x128xf32, #tpu.memory_space<hbm>> -> memref<128x128xf32, #tpu.memory_space<hbm>>
      tpu.enqueue_dma source(%arg10 : memref<128x128xf32, #tpu.memory_space<vmem>>) target(%dma_start3A_175 : memref<128x128xf32, #tpu.memory_space<hbm>>) target_semaphore(%arg13 : memref<!tpu.dma_semaphore, #tpu.memory_space<semaphore_mem>>)
      %scan3A_176 = arith.constant 0 : i32
      scf.yield %scan3A_176 : i32
    }
    %scan3A_84 = arith.constant 8 : i32
    %add3A_85 = arith.constant 7 : i32
    %add3A_86 = arith.addi %multiple_of3A, %add3A_85 : i32
    %dma_wait3A = arith.constant 0 : i32
    %dma_wait3A_87 = arith.constant 0 : i32
    %dma_wait3A_88 = tpu.memref_slice %arg5[%add3A_86, %dma_wait3A, %dma_wait3A_87] : memref<256x128x128xf32, #tpu.memory_space<hbm>> -> memref<1x128x128xf32, #tpu.memory_space<hbm>>
    %dma_wait3A_89 = tpu.memref_squeeze %dma_wait3A_88 : memref<1x128x128xf32, #tpu.memory_space<hbm>> -> memref<128x128xf32, #tpu.memory_space<hbm>>
    %dma_wait3A_90 = arith.constant 0 : i32
    %dma_wait3A_91 = arith.constant 0 : i32
    %dma_wait3A_92 = tpu.memref_slice %arg5[%add3A_86, %dma_wait3A_90, %dma_wait3A_91] : memref<256x128x128xf32, #tpu.memory_space<hbm>> -> memref<1x128x128xf32, #tpu.memory_space<hbm>>
    %dma_wait3A_93 = tpu.memref_squeeze %dma_wait3A_92 : memref<1x128x128xf32, #tpu.memory_space<hbm>> -> memref<128x128xf32, #tpu.memory_space<hbm>>
    tpu.wait_dma2 semaphore(%arg13 : memref<!tpu.dma_semaphore, #tpu.memory_space<semaphore_mem>>) src(%arg10 : memref<128x128xf32, #tpu.memory_space<vmem>>) dst(%dma_wait3A_93 : memref<128x128xf32, #tpu.memory_space<hbm>>)
    return
  }
}

</mosaic_0001>

<sc_bundles>
// kernel: kernel.3.cloned.1.call-start
scs
__scs_entry_jumppad:
0x0: {  	(pc) =	sbr.rel $0x88, $3  }
0x1: {  	(tag) =	ssettag $0x0;
	lr =	simm.s32 $0x1  }
0x2: {  	[smem:$0x3F9E] =	sst lr;
	_ =	strace $0xD0000000  }
0x3: {  	_ = 	snop  }
0x4: {  	_ = 	snop  }
0x5: {  	_ = 	snop  }
0x6: {  	_ = 	snop  }
0x7: {  	_ = 	snop  }
__scs_overlays_trampoline_lowered:
0x8: {  	[smem:$0x3FAD] =	sst s0  }
0x9: {  	[smem:$0x3FAE] =	sst s1  }
0xa: {  	[smem:$0x3FAF] =	sst s2  }
0xb: {  	[smem:$0x3FB0] =	sst s3  }
0xc: {  	[smem:$0x3FB1] =	sst s4  }
0xd: {  	[smem:$0x3FB2] =	sst s5  }
0xe: {  	[smem:$0x3FB3] =	sst s6  }
0xf: {  	[smem:$0x3FB4] =	sst s7  }
0x10: {  	[smem:$0x3FB5] =	sst s8  }
0x11: {  	[smem:$0x3FB6] =	sst s9;
	s0 =	simm.s32 @!p0 $0x0  }
0x12: {  	s1 =	sld [smem:$0x3F9C];
	s0 =	simm.s32 @p0 $0x1  }
0x13: {  	[smem:$0x3FB7] =	sst s0;
	s0 =	simm.s32 @!p1 $0x0  }
0x14: {  	s2 =	sld [smem:$0x3F9B];
	s0 =	simm.s32 @p1 $0x1  }
0x15: {  	[smem:$0x3FB8] =	sst s0;
	s0 =	simm.s32 @!p2 $0x0  }
0x16: {  	s3 =	sld [smem:$0x3FDB];
	s0 =	simm.s32 @p2 $0x1  }
0x17: {  	s4 =	simm.s32 $0x1BF5;
	[smem:$0x3FBA] =	sst s0  }
0x18: {  	s0 =	sld [smem:$0x3F9D];
	_ =	swait.ge [sflag:s4], $0x0  }
0x19: {  	s7 =	sld [smem:$0x3F9E]  }
0x1a: {  	s8 =	sadd.s32 $0xFFFFE003, lr  }
0x1b: {  	s9 =	sadd.s32 $0xFFFFFEF7, lr;
	s5 =	simm.s32 $0xFFFFFFFF;
	p2 =	slt.u32 s8, $0xFFFFF086  }
0x1c: {  	p1 =	slt.u32 s9, $0xF7A;
	s5 =	simm.s32 @!p2 $0x0  }
0x1d: {  	s5 =	simm.s32 @p1 $0x1;
	p0 =	seq.s32 s7, s2  }
0x1e: {  	s7 =	smul.u32 @!p0 $0xF7A, s2;
	p2 =	seq.s32 @!p0 s5, $0x0  }
0x1f: {  	s9 =	smul.u32 $0xF7A, s1;
	s8 =	simm.s32 @!p0 $0x1BF5;
	p2 =	por !p2, p0  }
0x20: {  	[sflag:s8] =	ssyncset.s32 @!p0 $0xFFFFF086;
	s6 =	sadd.s32 @!p0 s3, s7;
	s7 =	simm.s32 @!p0 $0x108  }
0x21: {  	s3 =	sadd.s32 s3, s9;
	s6 =	sadd.s32 @!p0 $0x88, s6;
	s7 =	simm.s32 @p2 $0x1082  }
0x22: {  	[simem:s7], [sflag:s8] =	dma.local @!p0 [hbm:s6], $0xF7A  }
0x23: {  	s9 =	sor.u32 $0xD0000000, s2;
	s6 =	simm.s32 $0x108;
	_ =	swait.ge @!p0 [sflag:s8], $0x0  }
0x24: {  	s3 =	sadd.s32 $0x88, s3;
	s6 =	simm.s32 @!p1 $0x1082;
	[sflag:s4] =	ssyncset.s32 $0xFFFFF086  }
0x25: {  	[simem:s6], [sflag:s4] =	dma.local [hbm:s3], $0xF7A  }
0x26: {  	[smem:$0x3F9E] =	sst s1;
	(tag) =	ssettag s2;
	_ =	strace s9  }
0x27: {  	s1 =	sld [smem:$0x3FAE]  }
0x28: {  	s2 =	sld [smem:$0x3FAF]  }
0x29: {  	s4 =	sld [smem:$0x3FB1]  }
0x2a: {  	p0 =	seq.s32 s5, $0x0;
	s5 =	sld [smem:$0x3FB2]  }
0x2b: {  	s6 =	sld [smem:$0x3FB3]  }
0x2c: {  	s7 =	sld [smem:$0x3FB4]  }
0x2d: {  	s3 =	simm.s32 $0x108;
	s8 =	sld [smem:$0x3FB5]  }
0x2e: {  	s3 =	simm.s32 @!p0 $0x1082;
	s9 =	sld [smem:$0x3FB6]  }
0x2f: {  	lr =	sadd.s32 s0, s3;
	s0 =	sld [smem:$0x3FAD]  }
0x30: {  	s3 =	sld [smem:$0x3FB0]  }
0x31: {  	[smem:$0x3FB9] =	sst s10  }
0x32: {  	s10 =	sld [smem:$0x3FB7];
	_ =	sdelay $0x3  }
0x33: {  	p0 =	seq.s32 s10, $0x1;
	s10 =	sld [smem:$0x3FB9];
	_ =	sdelay $0x3  }
0x34: {  	[smem:$0x3FB9] =	sst s10  }
0x35: {  	s10 =	sld [smem:$0x3FB8];
	_ =	sdelay $0x3  }
0x36: {  	p1 =	seq.s32 s10, $0x1;
	s10 =	sld [smem:$0x3FB9];
	_ =	sdelay $0x3  }
0x37: {  	[smem:$0x3FB9] =	sst s10  }
0x38: {  	s10 =	sld [smem:$0x3FBA]  }
0x39: {  	_ = 	snop;
	(pc) =	sbr.ind lr, $3  }
0x3a: {  	_ = 	snop  }
0x3b: {  	_ = 	snop  }
0x3c: {  	p2 =	seq.s32 s10, $0x1;
	s10 =	sld [smem:$0x3FB9]  }
0x3d: {  	_ =	shalt  }
0x3e: {  	_ =	shalt  }
0x3f: {  	_ =	shalt  }
0x40: {  	_ =	shalt  }
0x41: {  	_ =	shalt  }
0x42: {  	_ =	shalt  }
0x43: {  	_ =	shalt  }
0x44: {  	_ =	shalt  }
0x45: {  	_ =	shalt  }
0x46: {  	_ =	shalt  }
0x47: {  	_ =	shalt  }
0x48: {  	_ =	shalt  }
0x49: {  	_ =	shalt  }
0x4a: {  	_ =	shalt  }
0x4b: {  	_ =	shalt  }
0x4c: {  	_ =	shalt  }
0x4d: {  	_ =	shalt  }
0x4e: {  	_ =	shalt  }
0x4f: {  	_ =	shalt  }
0x50: {  	_ =	shalt  }
0x51: {  	_ =	shalt  }
0x52: {  	_ =	shalt  }
0x53: {  	_ =	shalt  }
0x54: {  	_ =	shalt  }
0x55: {  	_ =	shalt  }
0x56: {  	_ =	shalt  }
0x57: {  	_ =	shalt  }
0x58: {  	_ =	shalt  }
0x59: {  	_ =	shalt  }
0x5a: {  	_ =	shalt  }
0x5b: {  	_ =	shalt  }
0x5c: {  	_ =	shalt  }
0x5d: {  	_ =	shalt  }
0x5e: {  	_ =	shalt  }
0x5f: {  	_ =	shalt  }
0x60: {  	_ =	shalt  }
0x61: {  	_ =	shalt  }
0x62: {  	_ =	shalt  }
0x63: {  	_ =	shalt  }
0x64: {  	_ =	shalt  }
0x65: {  	_ =	shalt  }
0x66: {  	_ =	shalt  }
0x67: {  	_ =	shalt  }
0x68: {  	_ =	shalt  }
0x69: {  	_ =	shalt  }
0x6a: {  	_ =	shalt  }
0x6b: {  	_ =	shalt  }
0x6c: {  	_ =	shalt  }
0x6d: {  	_ =	shalt  }
0x6e: {  	_ =	shalt  }
0x6f: {  	_ =	shalt  }
0x70: {  	_ =	shalt  }
0x71: {  	_ =	shalt  }
0x72: {  	_ =	shalt  }
0x73: {  	_ =	shalt  }
0x74: {  	_ =	shalt  }
0x75: {  	_ =	shalt  }
0x76: {  	_ =	shalt  }
0x77: {  	_ =	shalt  }
0x78: {  	_ =	shalt  }
0x79: {  	_ =	shalt  }
0x7a: {  	_ =	shalt  }
0x7b: {  	_ =	shalt  }
0x7c: {  	_ =	shalt  }
0x7d: {  	_ =	shalt  }
0x7e: {  	_ =	shalt  }
0x7f: {  	_ =	shalt  }
0x80: {  	_ =	shalt  }
0x81: {  	_ =	shalt  }
0x82: {  	_ =	shalt  }
0x83: {  	_ =	shalt  }
0x84: {  	_ =	shalt  }
0x85: {  	_ =	shalt  }
0x86: {  	_ =	shalt  }
0x87: {  	_ =	shalt  }
.Lfunc_end0:
.L_simem_size_0:
called_computation_lowered:
.L_overlay_start_0:
0x88: {  	s2 =	sld [smem:$0x3FD9]  }
0x89: {  	s3 =	sld [smem:$0x3FFE];
	_ =	sdelay $0x1  }
0x8a: {  	s1 =	srdreg.scid  }
0x8b: {  	s0 =	sand.u32 $0x1, s1  }
0x8c: {  	s17 =	sshll.u32 s0, $0xA;
	s2 =	sadd.s32 s3, s2  }
0x8d: {  	s2 =	sadd.s32 s2, s17  }
0x8e: {  	[smem:$0x3FC5] =	sst s2  }
0x8f: {  	_ = 	snop  }
0x90: {  	s2 =	sld [smem:$0x3FC9]  }
0x91: {  	s18 =	sld [smem:$0x3FC7]  }
0x92: {  	s4 =	sld [smem:$0x3FD0];
	(tm) =	ssettm $0x1  }
0x93: {  	s5 =	sld [smem:$0x3FFB];
	_ =	sdelay $0x3  }
0x94: {  	_ =	strace s5  }
0x95: {  	s5 =	sld [smem:$0x3FFC];
	_ =	sdelay $0x3  }
0x96: {  	_ =	strace s5  }
0x97: {  	s5 =	sld [smem:$0x3FFD];
	_ =	sdelay $0x3  }
0x98: {  	_ =	strace s5  }
0x99: {  	_ =	strace $0x8FFFFFFF  }
0x9a: {  	s19 =	sld [smem:$0x3FDB];
	_ =	sdelay $0x1  }
0x9b: {  	s6 =	simm.s32 $_scs_section_size  }
0x9c: {  	s7 =	simm.s32 $_size__tile_overlayer_lowered;
	s8 =	simm.s32 $_tile_overlayer_lowered  }
0x9d: {  	s22 =	simm.s32 $0x1BFF;
	s21 =	sshll.u32 s8, $0x1;
	s5 =	sadd.s32 s6, s19  }
0x9e: {  	s9 =	simm.s32 $0x0;
	s20 =	sshll.u32 s7, $0x1;
	s7 =	sadd.s32 s21, s5  }
0x9f: {  	[timem:s9], [sflag:s22] =	dma.local [hbm:s7], s20  }
0xa0: {  	_ =	swait.ge [sflag:s22], s20  }
0xa1: {  	s6 =	ssub.s32 $0x0, s20;
	[sflag:s22] =	ssyncset.done $0x0  }
0xa2: {  	[sflag:s22] =	ssyncadd.s32 s6;
	_ =	sdelay $0x1  }
0xa3: {  	s23 =	simm.s32 $0x1B8B  }
0xa4: {  	_ =	swait.ge [sflag:s23], $0x1  }
0xa5: {  	[sflag:s23] =	ssyncset.done $0x0  }
0xa6: {  	s25 =	simm.s32 $0x1B8E;
	s24 =	sld [smem:$0x3FFE];
	[sflag:s23] =	ssyncadd.s32 $0xFFFFFFFF  }
0xa7: {  	s26 =	simm.s32 $execute0_lowered;
	[smem:$0x3FD2] =	sst s25  }
0xa8: {  	s7 =	sshll.u32 s26, $0x1;
	_ =	strace $0x80000046;
	[dreg:$0x1] =	wrdreg $0xFFFFFFFF  }
0xa9: {  	s28 =	simm.s32 $_size_execute0_lowered;
	s5 =	sadd.s32 s5, s7;
	[dreg:$0x0] =	wrdreg $0x0  }
0xaa: {  	s7 =	sshll.u32 s28, $0x1;
	[dreg:$0x2] =	wrdreg s5  }
0xab: {  	[dreg:$0x3] =	wrdreg s7  }
0xac: {  	[dreg:$0x4] =	wrdreg $0xC0  }
0xad: {  	_ =	task [dreg:s9], $0x5FFFF  }
0xae: {  	[dreg:$0x1] =	wrdreg $0xFFFFFFFF  }
0xaf: {  	[dreg:$0x0] =	wrdreg $0x60  }
0xb0: {  	[dreg:$0x2] =	wrdreg s2  }
0xb1: {  	[dreg:$0x3] =	wrdreg s24  }
0xb2: {  	[dreg:$0x4] =	wrdreg s18  }
0xb3: {  	[dreg:$0x5] =	wrdreg s4  }
0xb4: {  	[dreg:$0x6] =	wrdreg $0x9  }
0xb5: {  	_ =	task.clear_ibuf [dreg:s9], $0x7FFFF;
	_ =	strace $0x90000046  }
0xb6: {  	s29 =	simm.s32 $0x9;
	_ =	strace $0x80000048  }
0xb7: {  	_ =	swait.ge [sflag:s29], $0x1  }
0xb8: {  	[sflag:s29] =	ssyncadd.s32 $0xFFFFFFFF  }
0xb9: {  	_ =	strace $0x90000048  }
0xba: {  	_ =	sfence  }
0xbb: {  	s30 =	sld [smem:$0x0];
	_ =	sdelay $0x2  }
0xbc: {  	s31 =	sshll.u32 s1, $0xD;
	s1 =	sshrl.u32 s1, $0x2  }
0xbd: {  	s3 =	sand.u32 $0x4000, s31;
	s1 =	sadd.s32 s1, s30  }
0xbe: {  	s0 =	sor.u32 s3, s0;
	s1 =	sshll.u32 s1, $0x11  }
0xbf: {  	s0 =	sor.u32 s1, s0  }
0xc0: {  	s0 =	sadd.s32 $0x8F2B, s0  }
0xc1: {  	[sflag:s0] =	ssyncadd.remote.s32 $0x1  }
0xc2: {  	_ =	sfence.sel $0xFFFF  }
0xc3: {  	[dreg:$0x0] =	wrdreg $0xFFFFFFFF;
	(pc) =	sbr.abs _section_cstart, $3  }
0xc4: {  	[dreg:$0x1] =	wrdreg $0xFFFFFFFF  }
0xc5: {  	_ =	task.clear_ibuf [dreg:s9], $0x2FFFF;
	_ =	strace $0x9FFFFFFF  }
0xc6: {  	(tm) =	ssettm $0x7FFFFFFF  }
0xc7: {  	_ =	shalt  }
tec
execute0_lowered:
.L_overlay_start_1:
0x0: {  	(tag) =	ssettag $0x1  }
0x1: {  	s1 =	rddreg [dreg:$0x0]  }
0x2: {  	s7 =	rddreg [dreg:$0x1]  }
0x3: {  	s2 =	srdreg.scid;
	s3 =	rddreg [dreg:$0x2]  }
0x4: {  	s0 =	stileid.u32;
	s4 =	rddreg [dreg:$0x3]  }
0x5: {  	s10 =	simm.s32 $0x4;
	s11 =	simm.s32 $0x18080;
	s12 =	simm.s32 $0x3  }
0x6: {  	s13 =	simm.s32 $0x0;
	s8 =	sand.u32 $0x1, s2;
	s5 =	sshll.u32 s0, $0x4  }
.Ltmp0:
0x7: {  	s2 =	rddreg [dreg:$0x4];
	s6 =	sshll.u32 s8, $0x3;
	(pc) =	sbr.rel .LBB2_1-.Ltmp0, $4  }
0x8: {  	s8 =	ssub.s32 $0x2, s8;
	s5 =	sor.u32 s6, s5;
	s6 =	simm.s32 $0x0  }
0x9: {  	s31 =	sshrl.u32 s8, $0x1;
	s9 =	sshrl.u32 s5, $0x2;
	[smem:$0x7FF] =	sst s6  }
0xa: {  	s7 =	sadd.s32 s9, s7;
	_ =	strace $0x80000047;
	s9 =	ssub.s32 s8, s31  }
0xb: {  	v0 =	vimm.f32 $0.0e+00;
	s8 =	sshll.u32 s5, $0xE;
	s7 =	sadd.s32 $0x400, s7;
	s9 =	smax.u32 s9, $0x1  }
.LBB2_12:
0xc: {  	s13 =	sadd.s32 $0x1, s13  }
0xd: {  	p0 =	sne.s32 s13, s9  }
.Ltmp1:
0xe: {  	_ = 	snop;
	(pc) =	sbr.rel @!p0 .LBB2_13-.Ltmp1, $4  }
0xf: {  	_ = 	snop  }
0x10: {  	_ =	swait.ge [sflag:s12], $0x4000  }
0x11: {  	[sflag:s12] =	ssyncset.done $0x0  }
0x12: {  	[sflag:s12] =	ssyncadd.s32 $0xFFFFC000  }
.LBB2_1:
0x13: {  	[tilespmem:s6], [sflag:$0x4] =	stream.linear.gather [hbm4b:s7+s6], $0x10, $0x38;
	[tilespmem:$0x1C080] =	vst v63  }
0x14: {  	_ =	swait.ge [sflag:s10], $0x10  }
0x15: {  	[sflag:s10] =	ssyncset.done $0x0  }
0x16: {  	[sflag:s10] =	ssyncadd.s32 $0xFFFFFFF0  }
0x17: {  	v1 =	vld [tilespmem:$0x0];
	_ =	sdelay $0x4  }
0x18: {  	(v2sf) =	vpush v1, $0x0;
	_ =	sdelay $0xe  }
0x19: {  	s14 =	spop (v2sf)  }
0x1a: {  	s15 =	sadd.s32 $0xF, s14  }
0x1b: {  	s16 =	sand.u32 $0x80, s15  }
0x1c: {  	p0 =	seq.s32 s16, $0x0  }
0x1d: {  	s16 =	sshll.u32 @!p0 s15, $0x7  }
0x1e: {  	s16 =	sand.u32 @!p0 $0xFFFF8000, s16  }
0x1f: {  	s17 =	sadd.s32 @!p0 s8, s16  }
0x20: {  	s21 =	simm.s32 @!p0 $0x0;
	s18 =	sshrl.u32 @!p0 s17, $0x3  }
0x21: {  	s19 =	sor.u32 @!p0 $0x80, s16;
	s17 =	sadd.s32 @!p0 $0x400000, s17;
	s20 =	sadd.s32 @!p0 s1, s18  }
0x22: {  	[tilespmem:s19], [sflag:$0x1] =	stream.linear.gather @!p0 [hbm4b:s20+s21], $0x4000, $0x38;
	[tilespmem:$0x1C080] =	vst v63  }
0x23: {  	s18 =	sadd.s32 @!p0 s3, s18;
	s17 =	sshrl.u32 @!p0 s17, $0x3;
	s19 =	sadd.s32 @!p0 $0x8080, s16  }
0x24: {  	[tilespmem:s19], [sflag:$0x1] =	stream.linear.gather @!p0 [hbm4b:s18+s21], $0x4000, $0x38;
	[tilespmem:$0x1C080] =	vst v63  }
0x25: {  	s16 =	sadd.s32 @!p0 $0x10080, s16;
	s17 =	sadd.s32 @!p0 s3, s17  }
0x26: {  	(v2sf) =	vpush v1, $0x2;
	[tilespmem:s16], [sflag:$0x1] =	stream.linear.gather @!p0 [hbm4b:s17+s21], $0x4000, $0x38;
	[tilespmem:$0x1C080] =	vst v63  }
0x27: {  	(v2sf) =	vpush v1, $0x4;
	s21 =	sand.u32 $0x40, s15  }
0x28: {  	(v2sf) =	vpush v1, $0x6;
	p0 =	seq.s32 s21, $0x0  }
0x29: {  	s16 =	sshll.u32 @!p0 s15, $0x7  }
0x2a: {  	s16 =	sand.u32 @!p0 $0xFFFFC000, s16  }
0x2b: {  	s17 =	sadd.s32 @!p0 s8, s16  }
0x2c: {  	s21 =	simm.s32 @!p0 $0x0;
	s18 =	sshrl.u32 @!p0 s17, $0x3  }
0x2d: {  	s19 =	sor.u32 @!p0 $0x80, s16;
	s17 =	sadd.s32 @!p0 $0x400000, s17;
	s20 =	sadd.s32 @!p0 s1, s18  }
0x2e: {  	[tilespmem:s19], [sflag:$0x1] =	stream.linear.gather @!p0 [hbm4b:s20+s21], $0x2000, $0x38;
	[tilespmem:$0x1C080] =	vst v63  }
0x2f: {  	(v2sf) =	vpush v1, $0x8;
	s18 =	sadd.s32 @!p0 s3, s18;
	s17 =	sshrl.u32 @!p0 s17, $0x3;
	s19 =	sadd.s32 @!p0 $0x8080, s16  }
0x30: {  	(v2sf) =	vpush v1, $0xA;
	[tilespmem:s19], [sflag:$0x1] =	stream.linear.gather @!p0 [hbm4b:s18+s21], $0x2000, $0x38;
	[tilespmem:$0x1C080] =	vst v63  }
0x31: {  	s22 =	sand.u32 $0x20, s15;
	(v2sf) =	vpush v1, $0xC;
	s16 =	sadd.s32 @!p0 $0x10080, s16;
	s17 =	sadd.s32 @!p0 s3, s17  }
0x32: {  	[tilespmem:s16], [sflag:$0x1] =	stream.linear.gather @!p0 [hbm4b:s17+s21], $0x2000, $0x38;
	[tilespmem:$0x1C080] =	vst v63  }
0x33: {  	p0 =	seq.s32 s22, $0x0  }
0x34: {  	[smem:$0x0] =	sst s14;
	s16 =	sshll.u32 @!p0 s15, $0x7  }
0x35: {  	s23 =	sand.u32 $0x10, s15;
	s24 =	spop (v2sf);
	s16 =	sand.u32 @!p0 $0xFFFFE000, s16  }
0x36: {  	s25 =	spop (v2sf);
	[smem:$0x1] =	sst s24;
	s17 =	sadd.s32 @!p0 s8, s16  }
0x37: {  	s26 =	spop (v2sf);
	s21 =	simm.s32 @!p0 $0x0;
	s18 =	sshrl.u32 @!p0 s17, $0x3  }
0x38: {  	(v2sf) =	vpush v1, $0xE;
	s19 =	sor.u32 @!p0 $0x80, s16;
	s17 =	sadd.s32 @!p0 $0x400000, s17;
	s20 =	sadd.s32 @!p0 s1, s18  }
0x39: {  	[tilespmem:s19], [sflag:$0x1] =	stream.linear.gather @!p0 [hbm4b:s20+s21], $0x1000, $0x38;
	[tilespmem:$0x1C080] =	vst v63  }
0x3a: {  	s18 =	sadd.s32 @!p0 s3, s18;
	s17 =	sshrl.u32 @!p0 s17, $0x3;
	s19 =	sadd.s32 @!p0 $0x8080, s16  }
0x3b: {  	[tilespmem:s19], [sflag:$0x1] =	stream.linear.gather @!p0 [hbm4b:s18+s21], $0x1000, $0x38;
	[tilespmem:$0x1C080] =	vst v63  }
0x3c: {  	[smem:$0x2] =	sst s25;
	s16 =	sadd.s32 @!p0 $0x10080, s16;
	s17 =	sadd.s32 @!p0 s3, s17  }
0x3d: {  	[tilespmem:s16], [sflag:$0x1] =	stream.linear.gather @!p0 [hbm4b:s17+s21], $0x1000, $0x38;
	[tilespmem:$0x1C080] =	vst v63  }
0x3e: {  	s28 =	spop (v2sf);
	[smem:$0x3] =	sst s26;
	p0 =	seq.s32 s23, $0x0  }
0x3f: {  	s29 =	spop (v2sf);
	[smem:$0x4] =	sst s28;
	s15 =	sshll.u32 @!p0 s15, $0x7  }
0x40: {  	s30 =	spop (v2sf);
	[smem:$0x5] =	sst s29;
	s15 =	sand.u32 @!p0 $0xFFFFF000, s15  }
0x41: {  	[smem:$0x6] =	sst s30;
	s16 =	sadd.s32 @!p0 s8, s15  }
0x42: {  	s20 =	simm.s32 @!p0 $0x0;
	s18 =	sor.u32 @!p0 $0x80, s15;
	s17 =	sshrl.u32 @!p0 s16, $0x3  }
0x43: {  	s14 =	sadd.s32 @!p0 $0x400000, s16;
	s19 =	sadd.s32 @!p0 s1, s17;
	s17 =	sadd.s32 @!p0 s3, s17  }
0x44: {  	[tilespmem:s18], [sflag:$0x1] =	stream.linear.gather @!p0 [hbm4b:s19+s20], $0x800, $0x38;
	[tilespmem:$0x1C080] =	vst v63  }
.Ltmp2:
0x45: {  	s14 =	sshrl.u32 @!p0 s14, $0x3;
	s19 =	sadd.s32 @!p0 $0x8080, s15;
	(pc) =	sbr.rel .LBB2_2-.Ltmp2, $4  }
0x46: {  	[tilespmem:s19], [sflag:$0x1] =	stream.linear.gather @!p0 [hbm4b:s17+s20], $0x800, $0x38;
	[tilespmem:$0x1C080] =	vst v63  }
0x47: {  	s31 =	spop (v2sf);
	s15 =	sadd.s32 @!p0 $0x10080, s15;
	s14 =	sadd.s32 @!p0 s3, s14  }
0x48: {  	[tilespmem:s15], [sflag:$0x1] =	stream.linear.gather @!p0 [hbm4b:s14+s20], $0x800, $0x38;
	[tilespmem:$0x1C080] =	vst v63  }
0x49: {  	[smem:$0x7] =	sst s31;
	s14 =	simm.s32 $0x0  }
.LBB2_11:
0x4a: {  	p0 =	seq.s32 s15, $0x8  }
.Ltmp3:
0x4b: {  	s14 =	sadd.s32 s5, s14;
	(pc) =	sbr.rel @p0 .LBB2_12-.Ltmp3, $4  }
0x4c: {  	s14 =	sshll.u32 s14, $0xB  }
0x4d: {  	s14 =	sadd.s32 s4, s14  }
0x4e: {  	[hbm4b:s14+s6] =	stream.linear.scatter [tilespmem:s11], [sflag:$0x3], $0x4000, $0x38;
	[tilespmem:$0x1C080] =	vst v63  }
0x4f: {  	s14 =	smov.u32 s15  }
.LBB2_2:
0x50: {  	p0 =	seq.s32 s14, $0x7  }
.Ltmp4:
0x51: {  	_ = 	snop;
	(pc) =	sbr.rel @p0 .LBB2_4-.Ltmp4, $2  }
0x52: {  	_ =	sdelay $0x2  }
0x53: {  	s15 =	sadd.s32 $0x1, s14  }
0x54: {  	s16 =	sld [smem:s15+$0x0];
	_ =	sdelay $0x2  }
0x55: {  	s16 =	sadd.s32 $0xF, s16  }
0x56: {  	s17 =	sand.u32 $0x80, s16  }
0x57: {  	p0 =	seq.s32 s17, $0x0  }
0x58: {  	s18 =	sadd.s32 s5, s15;
	s19 =	sshll.u32 @!p0 s16, $0x7  }
0x59: {  	s17 =	sand.u32 $0x1, s15;
	s20 =	sshll.u32 @!p0 s18, $0xE;
	s19 =	sand.u32 @!p0 $0xFFFF8000, s19  }
0x5a: {  	s21 =	sshll.u32 @!p0 s17, $0xE;
	s22 =	sadd.s32 @!p0 $0x1, s17;
	s20 =	sadd.s32 @!p0 s20, s19  }
0x5b: {  	s25 =	simm.s32 @!p0 $0x0;
	s19 =	sor.u32 @!p0 s21, s19;
	s21 =	sshrl.u32 @!p0 s20, $0x3  }
0x5c: {  	s23 =	sor.u32 @!p0 $0x80, s19;
	s20 =	sadd.s32 @!p0 $0x400000, s20;
	s24 =	sadd.s32 @!p0 s1, s21  }
0x5d: {  	[tilespmem:s23], [sflag:s22] =	stream.linear.gather @!p0 [hbm4b:s24+s25], $0x4000, $0x38;
	[tilespmem:$0x1C080] =	vst v63  }
0x5e: {  	s21 =	sadd.s32 @!p0 s3, s21;
	s20 =	sshrl.u32 @!p0 s20, $0x3;
	s23 =	sadd.s32 @!p0 $0x8080, s19  }
0x5f: {  	[tilespmem:s23], [sflag:s22] =	stream.linear.gather @!p0 [hbm4b:s21+s25], $0x4000, $0x38;
	[tilespmem:$0x1C080] =	vst v63  }
0x60: {  	s29 =	sand.u32 $0x40, s16;
	s19 =	sadd.s32 @!p0 $0x10080, s19;
	s20 =	sadd.s32 @!p0 s3, s20  }
0x61: {  	[tilespmem:s19], [sflag:s22] =	stream.linear.gather @!p0 [hbm4b:s20+s25], $0x4000, $0x38;
	[tilespmem:$0x1C080] =	vst v63  }
0x62: {  	p0 =	seq.s32 s29, $0x0  }
0x63: {  	s19 =	sshll.u32 @!p0 s16, $0x7  }
0x64: {  	s20 =	sshll.u32 @!p0 s18, $0xE;
	s19 =	sand.u32 @!p0 $0xFFFFC000, s19  }
0x65: {  	s21 =	sshll.u32 @!p0 s17, $0xE;
	s22 =	sadd.s32 @!p0 $0x1, s17;
	s20 =	sadd.s32 @!p0 s20, s19  }
0x66: {  	s25 =	simm.s32 @!p0 $0x0;
	s19 =	sadd.s32 @!p0 s21, s19;
	s21 =	sshrl.u32 @!p0 s20, $0x3  }
0x67: {  	s23 =	sor.u32 @!p0 $0x80, s19;
	s20 =	sadd.s32 @!p0 $0x400000, s20;
	s24 =	sadd.s32 @!p0 s1, s21  }
0x68: {  	[tilespmem:s23], [sflag:s22] =	stream.linear.gather @!p0 [hbm4b:s24+s25], $0x2000, $0x38;
	[tilespmem:$0x1C080] =	vst v63  }
0x69: {  	s21 =	sadd.s32 @!p0 s3, s21;
	s20 =	sshrl.u32 @!p0 s20, $0x3;
	s23 =	sadd.s32 @!p0 $0x8080, s19  }
0x6a: {  	[tilespmem:s23], [sflag:s22] =	stream.linear.gather @!p0 [hbm4b:s21+s25], $0x2000, $0x38;
	[tilespmem:$0x1C080] =	vst v63  }
0x6b: {  	s30 =	sand.u32 $0x20, s16;
	s19 =	sadd.s32 @!p0 $0x10080, s19;
	s20 =	sadd.s32 @!p0 s3, s20  }
0x6c: {  	[tilespmem:s19], [sflag:s22] =	stream.linear.gather @!p0 [hbm4b:s20+s25], $0x2000, $0x38;
	[tilespmem:$0x1C080] =	vst v63  }
0x6d: {  	p0 =	seq.s32 s30, $0x0  }
0x6e: {  	s19 =	sshll.u32 @!p0 s16, $0x7  }
0x6f: {  	s20 =	sshll.u32 @!p0 s18, $0xE;
	s19 =	sand.u32 @!p0 $0xFFFFE000, s19  }
0x70: {  	s21 =	sshll.u32 @!p0 s17, $0xE;
	s22 =	sadd.s32 @!p0 $0x1, s17;
	s20 =	sadd.s32 @!p0 s20, s19  }
0x71: {  	s25 =	simm.s32 @!p0 $0x0;
	s19 =	sadd.s32 @!p0 s21, s19;
	s21 =	sshrl.u32 @!p0 s20, $0x3  }
0x72: {  	s23 =	sor.u32 @!p0 $0x80, s19;
	s20 =	sadd.s32 @!p0 $0x400000, s20;
	s24 =	sadd.s32 @!p0 s1, s21  }
0x73: {  	[tilespmem:s23], [sflag:s22] =	stream.linear.gather @!p0 [hbm4b:s24+s25], $0x1000, $0x38;
	[tilespmem:$0x1C080] =	vst v63  }
0x74: {  	s21 =	sadd.s32 @!p0 s3, s21;
	s20 =	sshrl.u32 @!p0 s20, $0x3;
	s23 =	sadd.s32 @!p0 $0x8080, s19  }
0x75: {  	[tilespmem:s23], [sflag:s22] =	stream.linear.gather @!p0 [hbm4b:s21+s25], $0x1000, $0x38;
	[tilespmem:$0x1C080] =	vst v63  }
0x76: {  	s31 =	sand.u32 $0x10, s16;
	s19 =	sadd.s32 @!p0 $0x10080, s19;
	s20 =	sadd.s32 @!p0 s3, s20  }
0x77: {  	[tilespmem:s19], [sflag:s22] =	stream.linear.gather @!p0 [hbm4b:s20+s25], $0x1000, $0x38;
	[tilespmem:$0x1C080] =	vst v63  }
0x78: {  	p0 =	seq.s32 s31, $0x0  }
0x79: {  	s16 =	sshll.u32 @!p0 s16, $0x7  }
0x7a: {  	s18 =	sshll.u32 @!p0 s18, $0xE;
	s16 =	sand.u32 @!p0 $0xFFFFF000, s16  }
0x7b: {  	s19 =	sshll.u32 @!p0 s17, $0xE;
	s17 =	sadd.s32 @!p0 $0x1, s17;
	s18 =	sadd.s32 @!p0 s18, s16  }
0x7c: {  	s22 =	simm.s32 @!p0 $0x0;
	s16 =	sadd.s32 @!p0 s19, s16;
	s19 =	sshrl.u32 @!p0 s18, $0x3  }
0x7d: {  	s20 =	sor.u32 @!p0 $0x80, s16;
	s18 =	sadd.s32 @!p0 $0x400000, s18;
	s21 =	sadd.s32 @!p0 s1, s19  }
0x7e: {  	[tilespmem:s20], [sflag:s17] =	stream.linear.gather @!p0 [hbm4b:s21+s22], $0x800, $0x38;
	[tilespmem:$0x1C080] =	vst v63  }
0x7f: {  	s19 =	sadd.s32 @!p0 s3, s19;
	s18 =	sshrl.u32 @!p0 s18, $0x3;
	s20 =	sadd.s32 @!p0 $0x8080, s16  }
0x80: {  	[tilespmem:s20], [sflag:s17] =	stream.linear.gather @!p0 [hbm4b:s19+s22], $0x800, $0x38;
	[tilespmem:$0x1C080] =	vst v63  }
0x81: {  	s16 =	sadd.s32 @!p0 $0x10080, s16;
	s18 =	sadd.s32 @!p0 s3, s18  }
0x82: {  	[tilespmem:s16], [sflag:s17] =	stream.linear.gather @!p0 [hbm4b:s18+s22], $0x800, $0x38;
	[tilespmem:$0x1C080] =	vst v63  }
.LBB2_4:
0x83: {  	s16 =	sld [smem:s14+$0x0];
	_ =	sdelay $0x2  }
0x84: {  	s17 =	sadd.s32 $0xF, s16  }
0x85: {  	s19 =	sand.u32 $0x80, s17  }
0x86: {  	s18 =	sand.u32 $0x1, s14;
	p0 =	seq.s32 s19, $0x0  }
0x87: {  	s19 =	sadd.s32 @!p0 $0x1, s18  }
0x88: {  	_ =	swait.ge @!p0 [sflag:s19], $0x4000  }
0x89: {  	[sflag:s19] =	ssyncset.done @!p0 $0x0  }
0x8a: {  	[sflag:s19] =	ssyncadd.s32 @!p0 $0xFFFFC000  }
0x8b: {  	_ =	swait.ge @!p0 [sflag:s19], $0x4000  }
0x8c: {  	[sflag:s19] =	ssyncset.done @!p0 $0x0  }
0x8d: {  	[sflag:s19] =	ssyncadd.s32 @!p0 $0xFFFFC000  }
0x8e: {  	s20 =	sand.u32 $0x40, s17;
	_ =	swait.ge @!p0 [sflag:s19], $0x4000  }
0x8f: {  	p1 =	seq.s32 s20, $0x0;
	[sflag:s19] =	ssyncset.done @!p0 $0x0  }
0x90: {  	[sflag:s19] =	ssyncadd.s32 @!p0 $0xFFFFC000;
	s19 =	sadd.s32 @!p1 $0x1, s18  }
0x91: {  	_ =	swait.ge @!p1 [sflag:s19], $0x2000  }
0x92: {  	[sflag:s19] =	ssyncset.done @!p1 $0x0  }
0x93: {  	[sflag:s19] =	ssyncadd.s32 @!p1 $0xFFFFE000  }
0x94: {  	_ =	swait.ge @!p1 [sflag:s19], $0x2000  }
0x95: {  	[sflag:s19] =	ssyncset.done @!p1 $0x0  }
0x96: {  	[sflag:s19] =	ssyncadd.s32 @!p1 $0xFFFFE000  }
0x97: {  	s29 =	sand.u32 $0x20, s17;
	_ =	swait.ge @!p1 [sflag:s19], $0x2000  }
0x98: {  	p0 =	seq.s32 s29, $0x0;
	[sflag:s19] =	ssyncset.done @!p1 $0x0  }
0x99: {  	[sflag:s19] =	ssyncadd.s32 @!p1 $0xFFFFE000;
	s19 =	sadd.s32 @!p0 $0x1, s18  }
0x9a: {  	_ =	swait.ge @!p0 [sflag:s19], $0x1000  }
0x9b: {  	[sflag:s19] =	ssyncset.done @!p0 $0x0  }
0x9c: {  	[sflag:s19] =	ssyncadd.s32 @!p0 $0xFFFFF000  }
0x9d: {  	_ =	swait.ge @!p0 [sflag:s19], $0x1000  }
0x9e: {  	[sflag:s19] =	ssyncset.done @!p0 $0x0  }
0x9f: {  	[sflag:s19] =	ssyncadd.s32 @!p0 $0xFFFFF000  }
0xa0: {  	s17 =	sand.u32 $0x10, s17;
	_ =	swait.ge @!p0 [sflag:s19], $0x1000  }
0xa1: {  	p1 =	seq.s32 s17, $0x0;
	[sflag:s19] =	ssyncset.done @!p0 $0x0  }
0xa2: {  	s17 =	sadd.s32 @!p1 $0x1, s18;
	[sflag:s19] =	ssyncadd.s32 @!p0 $0xFFFFF000  }
0xa3: {  	_ =	swait.ge @!p1 [sflag:s17], $0x800  }
0xa4: {  	[sflag:s17] =	ssyncset.done @!p1 $0x0  }
0xa5: {  	[sflag:s17] =	ssyncadd.s32 @!p1 $0xFFFFF800  }
0xa6: {  	_ =	swait.ge @!p1 [sflag:s17], $0x800  }
0xa7: {  	[sflag:s17] =	ssyncset.done @!p1 $0x0  }
0xa8: {  	[sflag:s17] =	ssyncadd.s32 @!p1 $0xFFFFF800  }
0xa9: {  	_ =	swait.ge @!p1 [sflag:s17], $0x800  }
0xaa: {  	p0 =	seq.s32 s14, $0x0;
	[sflag:s17] =	ssyncset.done @!p1 $0x0  }
0xab: {  	[sflag:s17] =	ssyncadd.s32 @!p1 $0xFFFFF800;
	s17 =	simm.s32 @!p0 $0x3  }
0xac: {  	_ =	swait.ge @!p0 [sflag:s17], $0x4000  }
0xad: {  	s30 =	sadd.s32 $0xFFFFFFFF, s14;
	[sflag:s17] =	ssyncset.done @!p0 $0x0  }
0xae: {  	s31 =	sand.u32 $0x7, s30;
	[sflag:s17] =	ssyncadd.s32 @!p0 $0xFFFFC000  }
0xaf: {  	s17 =	sld [smem:s31+$0x0];
	_ =	sdelay $0x2  }
0xb0: {  	s17 =	sadd.s32 $0x7, s17  }
0xb1: {  	s19 =	sadd.s32 $0x7, s16;
	s20 =	sand.u32 $0xFFFFFFF8, s17  }
0xb2: {  	s17 =	sand.u32 $0xFFFFFFF8, s19;
	s20 =	simm.s32 @p0 $0x80  }
0xb3: {  	p0 =	sle.s32 s20, s17  }
.Ltmp5:
0xb4: {  	_ = 	snop;
	(pc) =	sbr.rel @p0 .LBB2_8-.Ltmp5, $1  }
0xb5: {  	_ =	sdelay $0x3  }
0xb6: {  	s21 =	sshll.u32 s19, $0x9  }
0xb7: {  	s21 =	sshra.s32 s21, $0x2  }
0xb8: {  	s21 =	sand.u32 $0xFFFFFC00, s21  }
0xb9: {  	s21 =	sadd.s32 $0x18180, s21  }
0xba: {  	[tilespmem:s21+$0xFFFFFF00] =	vst v0  }
0xbb: {  	[tilespmem:s21+$0xF0] =	vst v0  }
0xbc: {  	[tilespmem:s21+$0xE0] =	vst v0  }
0xbd: {  	[tilespmem:s21+$0xD0] =	vst v0  }
0xbe: {  	[tilespmem:s21+$0xC0] =	vst v0  }
0xbf: {  	[tilespmem:s21+$0xB0] =	vst v0  }
0xc0: {  	[tilespmem:s21+$0xA0] =	vst v0  }
0xc1: {  	[tilespmem:s21+$0x90] =	vst v0  }
0xc2: {  	[tilespmem:s21+$0x80] =	vst v0  }
0xc3: {  	[tilespmem:s21+$0x70] =	vst v0  }
0xc4: {  	[tilespmem:s21+$0x60] =	vst v0  }
0xc5: {  	[tilespmem:s21+$0x50] =	vst v0  }
0xc6: {  	[tilespmem:s21+$0x40] =	vst v0  }
0xc7: {  	[tilespmem:s21+$0x30] =	vst v0  }
0xc8: {  	[tilespmem:s21+$0x20] =	vst v0  }
0xc9: {  	[tilespmem:s21+$0x10] =	vst v0  }
0xca: {  	[tilespmem:s21+$0x0] =	vst v0  }
0xcb: {  	[tilespmem:s21+$0xFFFFFFF0] =	vst v0  }
0xcc: {  	[tilespmem:s21+$0xFFFFFFE0] =	vst v0  }
0xcd: {  	[tilespmem:s21+$0xFFFFFFD0] =	vst v0  }
0xce: {  	[tilespmem:s21+$0xFFFFFFC0] =	vst v0  }
0xcf: {  	[tilespmem:s21+$0xFFFFFFB0] =	vst v0  }
0xd0: {  	[tilespmem:s21+$0xFFFFFFA0] =	vst v0  }
0xd1: {  	p0 =	sgt.s32 s17, s20;
	[tilespmem:s21+$0xFFFFFF90] =	vst v0  }
0xd2: {  	s22 =	sadd.s32 $0x4, s17;
	s20 =	smov.u32 @p0 s17;
	[tilespmem:s21+$0xFFFFFF80] =	vst v0  }
0xd3: {  	p0 =	slt.s32 s22, s20;
	[tilespmem:s21+$0xFFFFFF70] =	vst v0  }
.Ltmp6:
0xd4: {  	[tilespmem:s21+$0xFFFFFF60] =	vst v0;
	(pc) =	sbr.rel @!p0 .LBB2_7-.Ltmp6, $4  }
0xd5: {  	[tilespmem:s21+$0xFFFFFF50] =	vst v0  }
0xd6: {  	[tilespmem:s21+$0xFFFFFF40] =	vst v0  }
0xd7: {  	[tilespmem:s21+$0xFFFFFF30] =	vst v0  }
0xd8: {  	[tilespmem:s21+$0xFFFFFF20] =	vst v0  }
.LBB2_6:
0xd9: {  	s22 =	sadd.s32 $0x4, s22;
	[tilespmem:s21+$0xFFFFFF10] =	vst v0;
	s21 =	sadd.s32 $0x200, s21  }
0xda: {  	[tilespmem:s21+$0xFFFFFF00] =	vst v0;
	p0 =	slt.s32 s22, s20  }
0xdb: {  	[tilespmem:s21+$0xF0] =	vst v0  }
0xdc: {  	[tilespmem:s21+$0xE0] =	vst v0  }
0xdd: {  	[tilespmem:s21+$0xD0] =	vst v0  }
0xde: {  	[tilespmem:s21+$0xC0] =	vst v0  }
0xdf: {  	[tilespmem:s21+$0xB0] =	vst v0  }
0xe0: {  	[tilespmem:s21+$0xA0] =	vst v0  }
0xe1: {  	[tilespmem:s21+$0x90] =	vst v0  }
0xe2: {  	[tilespmem:s21+$0x80] =	vst v0  }
0xe3: {  	[tilespmem:s21+$0x70] =	vst v0  }
0xe4: {  	[tilespmem:s21+$0x60] =	vst v0  }
0xe5: {  	[tilespmem:s21+$0x50] =	vst v0  }
0xe6: {  	[tilespmem:s21+$0x40] =	vst v0  }
0xe7: {  	[tilespmem:s21+$0x30] =	vst v0  }
0xe8: {  	[tilespmem:s21+$0x20] =	vst v0  }
0xe9: {  	[tilespmem:s21+$0x10] =	vst v0  }
0xea: {  	[tilespmem:s21+$0x0] =	vst v0  }
0xeb: {  	[tilespmem:s21+$0xFFFFFFF0] =	vst v0  }
0xec: {  	[tilespmem:s21+$0xFFFFFFE0] =	vst v0  }
0xed: {  	[tilespmem:s21+$0xFFFFFFD0] =	vst v0  }
0xee: {  	[tilespmem:s21+$0xFFFFFFC0] =	vst v0  }
0xef: {  	[tilespmem:s21+$0xFFFFFFB0] =	vst v0  }
0xf0: {  	[tilespmem:s21+$0xFFFFFFA0] =	vst v0  }
0xf1: {  	[tilespmem:s21+$0xFFFFFF90] =	vst v0  }
0xf2: {  	[tilespmem:s21+$0xFFFFFF80] =	vst v0  }
0xf3: {  	[tilespmem:s21+$0xFFFFFF70] =	vst v0  }
.Ltmp7:
0xf4: {  	[tilespmem:s21+$0xFFFFFF60] =	vst v0;
	(pc) =	sbr.rel @p0 .LBB2_6-.Ltmp7, $4  }
0xf5: {  	[tilespmem:s21+$0xFFFFFF50] =	vst v0  }
0xf6: {  	[tilespmem:s21+$0xFFFFFF40] =	vst v0  }
0xf7: {  	[tilespmem:s21+$0xFFFFFF30] =	vst v0  }
0xf8: {  	[tilespmem:s21+$0xFFFFFF20] =	vst v0  }
.LBB2_7:
0xf9: {  	[tilespmem:s21+$0xFFFFFF10] =	vst v0  }
.LBB2_8:
0xfa: {  	p0 =	sgt.s32 s19, $0x7  }
.Ltmp8:
0xfb: {  	_ = 	snop;
	(pc) =	sbr.rel @!p0 .LBB2_11-.Ltmp8, $1  }
0xfc: {  	_ =	sdelay $0x3  }
0xfd: {  	s19 =	sshll.u32 s18, $0xE  }
0xfe: {  	v1 =	vmov s19;
	_ =	sdelay $0x2  }
0xff: {  	s18 =	simm.s32 $0x0  }
.LBB2_10:
0x100: {  	s19 =	sshll.u32 s18, $0x7  }
0x101: {  	v2 =	vld.idx.msk [tilespmem:v1+s19+$0x80 ss:$0x1], $0xffff  }
0x102: {  	s22 =	sor.u32 $0x1, s18;
	v3 =	vld.idx.msk [tilespmem:v1+s19+$0x8080 ss:$0x1], $0xffff  }
0x103: {  	v4 =	vld.idx.msk [tilespmem:v1+s19+$0x10080 ss:$0x1], $0xffff;
	s20 =	sshll.u32 s22, $0x7  }
0x104: {  	v5 =	vld.idx.msk [tilespmem:v1+s20+$0x80 ss:$0x1], $0xffff  }
0x105: {  	s23 =	sor.u32 $0x2, s18;
	v6 =	vld.idx.msk [tilespmem:v1+s20+$0x8080 ss:$0x1], $0xffff  }
0x106: {  	s21 =	sshll.u32 s23, $0x7;
	v7 =	vld.idx.msk [tilespmem:v1+s20+$0x10080 ss:$0x1], $0xffff  }
0x107: {  	v8 =	vld.idx.msk [tilespmem:v1+s21+$0x8080 ss:$0x1], $0xffff;
	v2 =	vadd.f32 v3, v2  }
0x108: {  	v3 =	vld.idx.msk [tilespmem:v1+s21+$0x80 ss:$0x1], $0xffff  }
0x109: {  	v2 =	vadd.f32 v4, v2  }
0x10a: {  	v14 =	vld.idx.msk [tilespmem:v1+s21+$0x10080 ss:$0x1], $0xffff;
	v13 =	vadd.f32 v6, v5  }
0x10b: {  	p0 =	slt.s32 s18, s16;
	v2 =	vmax.f32 v2, $0.0e+00  }
0x10c: {  	v4 =	vadd.f32 v7, v13;
	v2 =	vpsel !p0, $0x0, v2  }
0x10d: {  	[tilespmem:s19+$0x18080] =	vst v2;
	v2 =	vadd.f32 v8, v3  }
0x10e: {  	p1 =	slt.s32 s22, s16;
	v4 =	vmax.f32 v4, $0.0e+00;
	v3 =	vld.idx.msk [tilespmem:v1+s19+$0x90 ss:$0x1], $0xffff  }
0x10f: {  	v4 =	vpsel !p1, $0x0, v4;
	v15 =	vld.idx.msk [tilespmem:v1+s19+$0x8090 ss:$0x1], $0xffff;
	v2 =	vadd.f32 v14, v2  }
0x110: {  	v16 =	vld.idx.msk [tilespmem:v1+s19+$0x10090 ss:$0x1], $0xffff;
	[tilespmem:s20+$0x18080] =	vst v4  }
0x111: {  	p2 =	slt.s32 s23, s16;
	v4 =	vld.idx.msk [tilespmem:v1+s20+$0x90 ss:$0x1], $0xffff;
	v2 =	vmax.f32 v2, $0.0e+00  }
0x112: {  	v17 =	vld.idx.msk [tilespmem:v1+s20+$0x8090 ss:$0x1], $0xffff;
	v2 =	vpsel !p2, $0x0, v2  }
0x113: {  	v18 =	vld.idx.msk [tilespmem:v1+s20+$0x10090 ss:$0x1], $0xffff;
	[tilespmem:s21+$0x18080] =	vst v2  }
0x114: {  	v2 =	vadd.f32 v15, v3;
	v3 =	vld.idx.msk [tilespmem:v1+s21+$0x90 ss:$0x1], $0xffff  }
0x115: {  	v19 =	vld.idx.msk [tilespmem:v1+s21+$0x8090 ss:$0x1], $0xffff  }
0x116: {  	v2 =	vadd.f32 v16, v2  }
0x117: {  	s29 =	sor.u32 $0x3, s18;
	v4 =	vadd.f32 v17, v4;
	v20 =	vld.idx.msk [tilespmem:v1+s21+$0x10090 ss:$0x1], $0xffff  }
0x118: {  	s22 =	sshll.u32 s29, $0x7;
	v2 =	vmax.f32 v2, $0.0e+00  }
0x119: {  	v27 =	vld.idx.msk [tilespmem:v1+s22+$0x80 ss:$0x1], $0xffff;
	v4 =	vadd.f32 v18, v4;
	v2 =	vpsel !p0, $0x0, v2  }
0x11a: {  	v9 =	vld.idx.msk [tilespmem:v1+s22+$0x8080 ss:$0x1], $0xffff;
	[tilespmem:s19+$0x18090] =	vst v2;
	v2 =	vadd.f32 v19, v3  }
0x11b: {  	v4 =	vmax.f32 v4, $0.0e+00;
	v3 =	vld.idx.msk [tilespmem:v1+s19+$0xA0 ss:$0x1], $0xffff  }
0x11c: {  	v4 =	vpsel !p1, $0x0, v4;
	v21 =	vld.idx.msk [tilespmem:v1+s19+$0x80A0 ss:$0x1], $0xffff;
	v2 =	vadd.f32 v20, v2  }
0x11d: {  	v22 =	vld.idx.msk [tilespmem:v1+s19+$0x100A0 ss:$0x1], $0xffff;
	[tilespmem:s20+$0x18090] =	vst v4  }
0x11e: {  	v4 =	vld.idx.msk [tilespmem:v1+s20+$0xA0 ss:$0x1], $0xffff;
	v2 =	vmax.f32 v2, $0.0e+00  }
0x11f: {  	v23 =	vld.idx.msk [tilespmem:v1+s20+$0x80A0 ss:$0x1], $0xffff;
	v2 =	vpsel !p2, $0x0, v2  }
0x120: {  	v24 =	vld.idx.msk [tilespmem:v1+s20+$0x100A0 ss:$0x1], $0xffff;
	[tilespmem:s21+$0x18090] =	vst v2  }
0x121: {  	v2 =	vadd.f32 v21, v3;
	v3 =	vld.idx.msk [tilespmem:v1+s21+$0xA0 ss:$0x1], $0xffff  }
0x122: {  	v25 =	vld.idx.msk [tilespmem:v1+s21+$0x80A0 ss:$0x1], $0xffff  }
0x123: {  	v2 =	vadd.f32 v22, v2  }
0x124: {  	s30 =	sor.u32 $0x6, s18;
	v4 =	vadd.f32 v23, v4  }
0x125: {  	s25 =	sshll.u32 s30, $0x7;
	v26 =	vld.idx.msk [tilespmem:v1+s21+$0x100A0 ss:$0x1], $0xffff;
	v2 =	vmax.f32 v2, $0.0e+00  }
0x126: {  	v31 =	vadd.f32 v9, v27;
	v27 =	vld.idx.msk [tilespmem:v1+s25+$0x10080 ss:$0x1], $0xffff;
	v4 =	vadd.f32 v24, v4;
	v2 =	vpsel !p0, $0x0, v2  }
0x127: {  	[tilespmem:s19+$0x180A0] =	vst v2;
	v2 =	vadd.f32 v25, v3;
	v3 =	vld.idx.msk [tilespmem:v1+s22+$0x10080 ss:$0x1], $0xffff  }
0x128: {  	v4 =	vmax.f32 v4, $0.0e+00;
	v28 =	vld.idx.msk [tilespmem:v1+s19+$0xB0 ss:$0x1], $0xffff  }
0x129: {  	v4 =	vpsel !p1, $0x0, v4;
	v29 =	vld.idx.msk [tilespmem:v1+s19+$0x80B0 ss:$0x1], $0xffff  }
0x12a: {  	v30 =	vld.idx.msk [tilespmem:v1+s19+$0x100B0 ss:$0x1], $0xffff;
	[tilespmem:s20+$0x180A0] =	vst v4;
	v2 =	vadd.f32 v26, v2  }
0x12b: {  	v32 =	vld.idx.msk [tilespmem:v1+s20+$0xB0 ss:$0x1], $0xffff  }
0x12c: {  	v33 =	vld.idx.msk [tilespmem:v1+s20+$0x80B0 ss:$0x1], $0xffff;
	v2 =	vmax.f32 v2, $0.0e+00  }
0x12d: {  	v34 =	vld.idx.msk [tilespmem:v1+s20+$0x100B0 ss:$0x1], $0xffff;
	v2 =	vpsel !p2, $0x0, v2;
	v3 =	vadd.f32 v3, v31  }
0x12e: {  	v26 =	vld.idx.msk [tilespmem:v1+s25+$0x80 ss:$0x1], $0xffff;
	[tilespmem:s21+$0x180A0] =	vst v2;
	v2 =	vadd.f32 v29, v28  }
0x12f: {  	p3 =	slt.s32 s29, s16;
	v35 =	vld.idx.msk [tilespmem:v1+s21+$0xB0 ss:$0x1], $0xffff;
	v3 =	vmax.f32 v3, $0.0e+00  }
0x130: {  	v36 =	vld.idx.msk [tilespmem:v1+s21+$0x80B0 ss:$0x1], $0xffff;
	v3 =	vpsel !p3, $0x0, v3;
	v2 =	vadd.f32 v30, v2  }
0x131: {  	v37 =	vld.idx.msk [tilespmem:v1+s21+$0x100B0 ss:$0x1], $0xffff;
	[tilespmem:s22+$0x18080] =	vst v3;
	v3 =	vadd.f32 v33, v32  }
0x132: {  	v38 =	vld.idx.msk [tilespmem:v1+s22+$0x90 ss:$0x1], $0xffff;
	v2 =	vmax.f32 v2, $0.0e+00  }
0x133: {  	v39 =	vld.idx.msk [tilespmem:v1+s22+$0x8090 ss:$0x1], $0xffff;
	v2 =	vpsel !p0, $0x0, v2;
	v3 =	vadd.f32 v34, v3  }
0x134: {  	v40 =	vld.idx.msk [tilespmem:v1+s22+$0x10090 ss:$0x1], $0xffff;
	[tilespmem:s19+$0x180B0] =	vst v2  }
0x135: {  	v2 =	vadd.f32 v36, v35;
	v41 =	vld.idx.msk [tilespmem:v1+s19+$0xC0 ss:$0x1], $0xffff;
	v3 =	vmax.f32 v3, $0.0e+00  }
0x136: {  	v42 =	vld.idx.msk [tilespmem:v1+s19+$0x80C0 ss:$0x1], $0xffff;
	v3 =	vpsel !p1, $0x0, v3  }
0x137: {  	v43 =	vld.idx.msk [tilespmem:v1+s19+$0x100C0 ss:$0x1], $0xffff;
	v2 =	vadd.f32 v37, v2;
	[tilespmem:s20+$0x180B0] =	vst v3  }
0x138: {  	s31 =	sor.u32 $0x7, s18;
	v3 =	vadd.f32 v39, v38;
	v44 =	vld.idx.msk [tilespmem:v1+s20+$0xC0 ss:$0x1], $0xffff  }
0x139: {  	s26 =	sshll.u32 s31, $0x7;
	v2 =	vmax.f32 v2, $0.0e+00;
	v45 =	vld.idx.msk [tilespmem:v1+s20+$0x80C0 ss:$0x1], $0xffff  }
0x13a: {  	v28 =	vld.idx.msk [tilespmem:v1+s26+$0x80 ss:$0x1], $0xffff;
	v2 =	vpsel !p2, $0x0, v2;
	v3 =	vadd.f32 v40, v3  }
0x13b: {  	v46 =	vld.idx.msk [tilespmem:v1+s20+$0x100C0 ss:$0x1], $0xffff;
	[tilespmem:s21+$0x180B0] =	vst v2;
	v2 =	vadd.f32 v42, v41  }
0x13c: {  	v47 =	vld.idx.msk [tilespmem:v1+s21+$0xC0 ss:$0x1], $0xffff;
	v3 =	vmax.f32 v3, $0.0e+00  }
0x13d: {  	v48 =	vld.idx.msk [tilespmem:v1+s21+$0x80C0 ss:$0x1], $0xffff;
	v3 =	vpsel !p3, $0x0, v3;
	v2 =	vadd.f32 v43, v2  }
0x13e: {  	v49 =	vld.idx.msk [tilespmem:v1+s21+$0x100C0 ss:$0x1], $0xffff;
	[tilespmem:s22+$0x18090] =	vst v3;
	v3 =	vadd.f32 v45, v44  }
0x13f: {  	v50 =	vld.idx.msk [tilespmem:v1+s22+$0xA0 ss:$0x1], $0xffff;
	v2 =	vmax.f32 v2, $0.0e+00  }
0x140: {  	v51 =	vld.idx.msk [tilespmem:v1+s22+$0x80A0 ss:$0x1], $0xffff;
	v2 =	vpsel !p0, $0x0, v2;
	v3 =	vadd.f32 v46, v3  }
0x141: {  	v52 =	vld.idx.msk [tilespmem:v1+s22+$0x100A0 ss:$0x1], $0xffff;
	[tilespmem:s19+$0x180C0] =	vst v2  }
0x142: {  	v2 =	vadd.f32 v48, v47;
	v53 =	vld.idx.msk [tilespmem:v1+s19+$0xD0 ss:$0x1], $0xffff;
	v3 =	vmax.f32 v3, $0.0e+00  }
0x143: {  	v54 =	vld.idx.msk [tilespmem:v1+s19+$0x80D0 ss:$0x1], $0xffff;
	v3 =	vpsel !p1, $0x0, v3  }
0x144: {  	v55 =	vld.idx.msk [tilespmem:v1+s19+$0x100D0 ss:$0x1], $0xffff;
	v2 =	vadd.f32 v49, v2;
	[tilespmem:s20+$0x180C0] =	vst v3  }
0x145: {  	v3 =	vadd.f32 v51, v50;
	v56 =	vld.idx.msk [tilespmem:v1+s20+$0xD0 ss:$0x1], $0xffff  }
0x146: {  	v2 =	vmax.f32 v2, $0.0e+00;
	v57 =	vld.idx.msk [tilespmem:v1+s20+$0x80D0 ss:$0x1], $0xffff  }
0x147: {  	v30 =	vld.idx.msk [tilespmem:v1+s26+$0x10080 ss:$0x1], $0xffff;
	v2 =	vpsel !p2, $0x0, v2;
	v3 =	vadd.f32 v52, v3  }
0x148: {  	v58 =	vld.idx.msk [tilespmem:v1+s20+$0x100D0 ss:$0x1], $0xffff;
	[tilespmem:s21+$0x180C0] =	vst v2;
	v2 =	vadd.f32 v54, v53  }
0x149: {  	v59 =	vld.idx.msk [tilespmem:v1+s21+$0xD0 ss:$0x1], $0xffff;
	v3 =	vmax.f32 v3, $0.0e+00  }
0x14a: {  	v60 =	vld.idx.msk [tilespmem:v1+s21+$0x80D0 ss:$0x1], $0xffff;
	v3 =	vpsel !p3, $0x0, v3;
	v2 =	vadd.f32 v55, v2  }
0x14b: {  	v61 =	vld.idx.msk [tilespmem:v1+s21+$0x100D0 ss:$0x1], $0xffff;
	[tilespmem:s22+$0x180A0] =	vst v3;
	v3 =	vadd.f32 v57, v56  }
0x14c: {  	v62 =	vld.idx.msk [tilespmem:v1+s22+$0xB0 ss:$0x1], $0xffff;
	v2 =	vmax.f32 v2, $0.0e+00  }
0x14d: {  	v63 =	vld.idx.msk [tilespmem:v1+s22+$0x80B0 ss:$0x1], $0xffff;
	v2 =	vpsel !p0, $0x0, v2;
	v3 =	vadd.f32 v58, v3  }
0x14e: {  	v12 =	vld.idx.msk [tilespmem:v1+s22+$0x100B0 ss:$0x1], $0xffff;
	[tilespmem:s19+$0x180D0] =	vst v2  }
0x14f: {  	v13 =	vld.idx.msk [tilespmem:v1+s19+$0xE0 ss:$0x1], $0xffff;
	v3 =	vmax.f32 v3, $0.0e+00  }
0x150: {  	s23 =	simm.s32 @!p0 $0x0;
	v2 =	vadd.f32 v60, v59;
	v14 =	vld.idx.msk [tilespmem:v1+s19+$0x80E0 ss:$0x1], $0xffff;
	v3 =	vpsel !p1, $0x0, v3  }
0x151: {  	s23 =	simm.s32 @p0 $0x1;
	v15 =	vld.idx.msk [tilespmem:v1+s19+$0x100E0 ss:$0x1], $0xffff;
	[tilespmem:s20+$0x180D0] =	vst v3  }
0x152: {  	[smem:$0x7FC] =	sst s23;
	s23 =	simm.s32 @!p1 $0x0;
	v2 =	vadd.f32 v61, v2;
	v16 =	vld.idx.msk [tilespmem:v1+s20+$0xE0 ss:$0x1], $0xffff  }
0x153: {  	s28 =	sor.u32 $0x4, s18;
	s23 =	simm.s32 @p1 $0x1;
	v3 =	vadd.f32 v63, v62;
	v17 =	vld.idx.msk [tilespmem:v1+s20+$0x80E0 ss:$0x1], $0xffff  }
0x154: {  	[smem:$0x7FD] =	sst s23;
	s23 =	sshll.u32 s28, $0x7;
	v2 =	vmax.f32 v2, $0.0e+00;
	v18 =	vld.idx.msk [tilespmem:v1+s20+$0x100E0 ss:$0x1], $0xffff  }
0x155: {  	v2 =	vpsel !p2, $0x0, v2;
	v3 =	vadd.f32 v12, v3;
	v12 =	vld.idx.msk [tilespmem:v1+s23+$0x80 ss:$0x1], $0xffff  }
0x156: {  	[tilespmem:s21+$0x180D0] =	vst v2;
	v2 =	vadd.f32 v14, v13;
	v13 =	vld.idx.msk [tilespmem:v1+s23+$0x8080 ss:$0x1], $0xffff  }
0x157: {  	v14 =	vld.idx.msk [tilespmem:v1+s23+$0x10080 ss:$0x1], $0xffff  }
0x158: {  	v19 =	vld.idx.msk [tilespmem:v1+s21+$0xE0 ss:$0x1], $0xffff  }
0x159: {  	s29 =	sor.u32 $0x5, s18;
	v20 =	vld.idx.msk [tilespmem:v1+s21+$0x80E0 ss:$0x1], $0xffff  }
0x15a: {  	s24 =	sshll.u32 s29, $0x7;
	v3 =	vmax.f32 v3, $0.0e+00;
	v21 =	vld.idx.msk [tilespmem:v1+s21+$0x100E0 ss:$0x1], $0xffff  }
0x15b: {  	v3 =	vpsel !p3, $0x0, v3;
	v2 =	vadd.f32 v15, v2;
	v15 =	vld.idx.msk [tilespmem:v1+s24+$0x80 ss:$0x1], $0xffff  }
0x15c: {  	[tilespmem:s22+$0x180B0] =	vst v3;
	v3 =	vadd.f32 v17, v16;
	v16 =	vld.idx.msk [tilespmem:v1+s24+$0x8080 ss:$0x1], $0xffff  }
0x15d: {  	v17 =	vld.idx.msk [tilespmem:v1+s24+$0x10080 ss:$0x1], $0xffff  }
0x15e: {  	v22 =	vld.idx.msk [tilespmem:v1+s22+$0xC0 ss:$0x1], $0xffff  }
0x15f: {  	v23 =	vld.idx.msk [tilespmem:v1+s22+$0x80C0 ss:$0x1], $0xffff  }
0x160: {  	v2 =	vmax.f32 v2, $0.0e+00;
	v24 =	vld.idx.msk [tilespmem:v1+s22+$0x100C0 ss:$0x1], $0xffff  }
0x161: {  	v2 =	vpsel !p0, $0x0, v2;
	v4 =	vadd.f32 v18, v3;
	v18 =	vld.idx.msk [tilespmem:v1+s25+$0x8080 ss:$0x1], $0xffff  }
0x162: {  	v12 =	vadd.f32 v13, v12;
	[tilespmem:s19+$0x180E0] =	vst v2;
	v2 =	vadd.f32 v20, v19;
	v19 =	vld.idx.msk [tilespmem:v1+s26+$0x8080 ss:$0x1], $0xffff  }
0x163: {  	v3 =	vld.idx.msk [tilespmem:v1+s19+$0xF0 ss:$0x1], $0xffff;
	v25 =	vmax.f32 v4, $0.0e+00  }
0x164: {  	v4 =	vld.idx.msk [tilespmem:v1+s19+$0x80F0 ss:$0x1], $0xffff;
	v12 =	vadd.f32 v14, v12;
	v6 =	vpsel !p1, $0x0, v25  }
0x165: {  	v5 =	vadd.f32 v21, v2;
	v2 =	vld.idx.msk [tilespmem:v1+s19+$0x100F0 ss:$0x1], $0xffff;
	[tilespmem:s20+$0x180E0] =	vst v6  }
0x166: {  	p4 =	slt.s32 s28, s16;
	v12 =	vmax.f32 v12, $0.0e+00;
	v6 =	vld.idx.msk [tilespmem:v1+s20+$0xF0 ss:$0x1], $0xffff  }
0x167: {  	v5 =	vmax.f32 v5, $0.0e+00;
	v7 =	vld.idx.msk [tilespmem:v1+s20+$0x80F0 ss:$0x1], $0xffff;
	v12 =	vpsel !p4, $0x0, v12  }
0x168: {  	v15 =	vadd.f32 v16, v15;
	v10 =	vpsel !p2, $0x0, v5;
	v5 =	vld.idx.msk [tilespmem:v1+s20+$0x100F0 ss:$0x1], $0xffff;
	[tilespmem:s23+$0x18080] =	vst v12  }
0x169: {  	v9 =	vadd.f32 v23, v22;
	v31 =	vld.idx.msk [tilespmem:v1+s23+$0x90 ss:$0x1], $0xffff  }
0x16a: {  	v15 =	vadd.f32 v17, v15;
	v32 =	vld.idx.msk [tilespmem:v1+s23+$0x8090 ss:$0x1], $0xffff  }
0x16b: {  	v8 =	vadd.f32 v24, v9;
	[tilespmem:s21+$0x180E0] =	vst v10;
	v33 =	vld.idx.msk [tilespmem:v1+s23+$0x10090 ss:$0x1], $0xffff  }
0x16c: {  	p5 =	slt.s32 s29, s16;
	v15 =	vmax.f32 v15, $0.0e+00;
	v9 =	vld.idx.msk [tilespmem:v1+s21+$0xF0 ss:$0x1], $0xffff  }
0x16d: {  	v29 =	vadd.f32 v18, v26;
	v8 =	vmax.f32 v8, $0.0e+00;
	v10 =	vld.idx.msk [tilespmem:v1+s21+$0x80F0 ss:$0x1], $0xffff;
	v15 =	vpsel !p5, $0x0, v15  }
0x16e: {  	v11 =	vpsel !p3, $0x0, v8;
	v8 =	vld.idx.msk [tilespmem:v1+s21+$0x100F0 ss:$0x1], $0xffff;
	[tilespmem:s24+$0x18080] =	vst v15  }
0x16f: {  	v12 =	vadd.f32 v27, v29;
	v35 =	vld.idx.msk [tilespmem:v1+s24+$0x90 ss:$0x1], $0xffff  }
0x170: {  	v34 =	vadd.f32 v19, v28;
	v36 =	vld.idx.msk [tilespmem:v1+s24+$0x8090 ss:$0x1], $0xffff  }
0x171: {  	p6 =	slt.s32 s30, s16;
	v12 =	vmax.f32 v12, $0.0e+00;
	[tilespmem:s22+$0x180C0] =	vst v11;
	v37 =	vld.idx.msk [tilespmem:v1+s24+$0x10090 ss:$0x1], $0xffff  }
0x172: {  	v13 =	vadd.f32 v30, v34;
	v12 =	vpsel !p6, $0x0, v12;
	v11 =	vld.idx.msk [tilespmem:v1+s22+$0xD0 ss:$0x1], $0xffff  }
0x173: {  	v20 =	vld.idx.msk [tilespmem:v1+s22+$0x80D0 ss:$0x1], $0xffff;
	[tilespmem:s25+$0x18080] =	vst v12  }
0x174: {  	p0 =	slt.s32 s31, s16;
	v13 =	vmax.f32 v13, $0.0e+00;
	v38 =	vadd.f32 v32, v31;
	v39 =	vld.idx.msk [tilespmem:v1+s25+$0x90 ss:$0x1], $0xffff  }
0x175: {  	v13 =	vpsel !p0, $0x0, v13;
	v40 =	vld.idx.msk [tilespmem:v1+s25+$0x8090 ss:$0x1], $0xffff  }
0x176: {  	v41 =	vld.idx.msk [tilespmem:v1+s25+$0x10090 ss:$0x1], $0xffff;
	[tilespmem:s26+$0x18080] =	vst v13;
	v12 =	vadd.f32 v33, v38  }
0x177: {  	v43 =	vld.idx.msk [tilespmem:v1+s26+$0x90 ss:$0x1], $0xffff;
	v42 =	vadd.f32 v36, v35  }
0x178: {  	v44 =	vld.idx.msk [tilespmem:v1+s26+$0x8090 ss:$0x1], $0xffff;
	v12 =	vmax.f32 v12, $0.0e+00  }
0x179: {  	v45 =	vld.idx.msk [tilespmem:v1+s22+$0x100D0 ss:$0x1], $0xffff;
	v13 =	vadd.f32 v37, v42;
	v12 =	vpsel !p4, $0x0, v12  }
0x17a: {  	v47 =	vld.idx.msk [tilespmem:v1+s26+$0x10090 ss:$0x1], $0xffff;
	v46 =	vadd.f32 v40, v39;
	[tilespmem:s23+$0x18090] =	vst v12  }
0x17b: {  	v48 =	vld.idx.msk [tilespmem:v1+s23+$0xA0 ss:$0x1], $0xffff;
	v13 =	vmax.f32 v13, $0.0e+00  }
0x17c: {  	v12 =	vadd.f32 v41, v46;
	v49 =	vld.idx.msk [tilespmem:v1+s23+$0x80A0 ss:$0x1], $0xffff;
	v13 =	vpsel !p5, $0x0, v13  }
0x17d: {  	v16 =	vadd.f32 v44, v43;
	v50 =	vld.idx.msk [tilespmem:v1+s23+$0x100A0 ss:$0x1], $0xffff;
	[tilespmem:s24+$0x18090] =	vst v13  }
0x17e: {  	v12 =	vmax.f32 v12, $0.0e+00;
	v51 =	vld.idx.msk [tilespmem:v1+s24+$0xA0 ss:$0x1], $0xffff  }
0x17f: {  	v11 =	vadd.f32 v20, v11;
	v16 =	vadd.f32 v47, v16;
	v52 =	vld.idx.msk [tilespmem:v1+s24+$0x80A0 ss:$0x1], $0xffff;
	v12 =	vpsel !p6, $0x0, v12  }
0x180: {  	v53 =	vld.idx.msk [tilespmem:v1+s24+$0x100A0 ss:$0x1], $0xffff;
	[tilespmem:s25+$0x18090] =	vst v12  }
0x181: {  	v11 =	vadd.f32 v45, v11;
	v56 =	vmax.f32 v16, $0.0e+00;
	v54 =	vadd.f32 v49, v48;
	v55 =	vld.idx.msk [tilespmem:v1+s25+$0xA0 ss:$0x1], $0xffff  }
0x182: {  	v15 =	vpsel !p0, $0x0, v56;
	v57 =	vld.idx.msk [tilespmem:v1+s25+$0x80A0 ss:$0x1], $0xffff  }
0x183: {  	v11 =	vmax.f32 v11, $0.0e+00;
	v58 =	vld.idx.msk [tilespmem:v1+s25+$0x100A0 ss:$0x1], $0xffff;
	[tilespmem:s26+$0x18090] =	vst v15;
	v12 =	vadd.f32 v50, v54  }
0x184: {  	v11 =	vpsel !p3, $0x0, v11;
	v60 =	vld.idx.msk [tilespmem:v1+s26+$0xA0 ss:$0x1], $0xffff;
	v59 =	vadd.f32 v52, v51  }
0x185: {  	[tilespmem:s22+$0x180D0] =	vst v11;
	v62 =	vld.idx.msk [tilespmem:v1+s26+$0x80A0 ss:$0x1], $0xffff;
	v61 =	vmax.f32 v12, $0.0e+00  }
0x186: {  	v63 =	vld.idx.msk [tilespmem:v1+s22+$0xE0 ss:$0x1], $0xffff;
	v11 =	vpsel !p4, $0x0, v61;
	v15 =	vadd.f32 v53, v59  }
0x187: {  	v25 =	vld.idx.msk [tilespmem:v1+s26+$0x100A0 ss:$0x1], $0xffff;
	v24 =	vadd.f32 v57, v55;
	[tilespmem:s23+$0x180A0] =	vst v11  }
0x188: {  	v26 =	vld.idx.msk [tilespmem:v1+s23+$0xB0 ss:$0x1], $0xffff;
	v15 =	vmax.f32 v15, $0.0e+00  }
0x189: {  	v27 =	vld.idx.msk [tilespmem:v1+s23+$0x80B0 ss:$0x1], $0xffff;
	v11 =	vadd.f32 v58, v24;
	v15 =	vpsel !p5, $0x0, v15  }
0x18a: {  	v12 =	vadd.f32 v62, v60;
	v28 =	vld.idx.msk [tilespmem:v1+s23+$0x100B0 ss:$0x1], $0xffff;
	[tilespmem:s24+$0x180A0] =	vst v15  }
0x18b: {  	v11 =	vmax.f32 v11, $0.0e+00;
	v15 =	vld.idx.msk [tilespmem:v1+s24+$0xB0 ss:$0x1], $0xffff  }
0x18c: {  	v12 =	vadd.f32 v25, v12;
	v29 =	vld.idx.msk [tilespmem:v1+s24+$0x80B0 ss:$0x1], $0xffff;
	v11 =	vpsel !p6, $0x0, v11  }
0x18d: {  	v30 =	vld.idx.msk [tilespmem:v1+s24+$0x100B0 ss:$0x1], $0xffff;
	[tilespmem:s25+$0x180A0] =	vst v11  }
0x18e: {  	v12 =	vmax.f32 v12, $0.0e+00;
	v31 =	vadd.f32 v27, v26;
	v32 =	vld.idx.msk [tilespmem:v1+s25+$0xB0 ss:$0x1], $0xffff  }
0x18f: {  	v12 =	vpsel !p0, $0x0, v12;
	v33 =	vld.idx.msk [tilespmem:v1+s25+$0x80B0 ss:$0x1], $0xffff  }
0x190: {  	v34 =	vld.idx.msk [tilespmem:v1+s25+$0x100B0 ss:$0x1], $0xffff;
	[tilespmem:s26+$0x180A0] =	vst v12;
	v11 =	vadd.f32 v28, v31  }
0x191: {  	v36 =	vld.idx.msk [tilespmem:v1+s26+$0xB0 ss:$0x1], $0xffff;
	v35 =	vadd.f32 v29, v15  }
0x192: {  	v37 =	vld.idx.msk [tilespmem:v1+s26+$0x80B0 ss:$0x1], $0xffff;
	v11 =	vmax.f32 v11, $0.0e+00  }
0x193: {  	v38 =	vld.idx.msk [tilespmem:v1+s22+$0x80E0 ss:$0x1], $0xffff;
	v11 =	vpsel !p4, $0x0, v11;
	v12 =	vadd.f32 v30, v35  }
0x194: {  	v40 =	vld.idx.msk [tilespmem:v1+s26+$0x100B0 ss:$0x1], $0xffff;
	v39 =	vadd.f32 v33, v32;
	[tilespmem:s23+$0x180B0] =	vst v11  }
0x195: {  	v41 =	vld.idx.msk [tilespmem:v1+s23+$0xC0 ss:$0x1], $0xffff;
	v12 =	vmax.f32 v12, $0.0e+00  }
0x196: {  	v42 =	vld.idx.msk [tilespmem:v1+s23+$0x80C0 ss:$0x1], $0xffff;
	v11 =	vadd.f32 v34, v39;
	v12 =	vpsel !p5, $0x0, v12  }
0x197: {  	v44 =	vadd.f32 v37, v36;
	v43 =	vld.idx.msk [tilespmem:v1+s23+$0x100C0 ss:$0x1], $0xffff;
	[tilespmem:s24+$0x180B0] =	vst v12  }
0x198: {  	v11 =	vmax.f32 v11, $0.0e+00;
	v45 =	vld.idx.msk [tilespmem:v1+s24+$0xC0 ss:$0x1], $0xffff  }
0x199: {  	v12 =	vadd.f32 v40, v44;
	v46 =	vld.idx.msk [tilespmem:v1+s24+$0x80C0 ss:$0x1], $0xffff;
	v11 =	vpsel !p6, $0x0, v11  }
0x19a: {  	v47 =	vld.idx.msk [tilespmem:v1+s24+$0x100C0 ss:$0x1], $0xffff;
	[tilespmem:s25+$0x180B0] =	vst v11  }
0x19b: {  	v12 =	vmax.f32 v12, $0.0e+00;
	v48 =	vadd.f32 v42, v41;
	v49 =	vld.idx.msk [tilespmem:v1+s25+$0xC0 ss:$0x1], $0xffff  }
0x19c: {  	v50 =	vld.idx.msk [tilespmem:v1+s25+$0x80C0 ss:$0x1], $0xffff;
	v12 =	vpsel !p0, $0x0, v12  }
0x19d: {  	v51 =	vld.idx.msk [tilespmem:v1+s25+$0x100C0 ss:$0x1], $0xffff;
	[tilespmem:s26+$0x180B0] =	vst v12;
	v11 =	vadd.f32 v43, v48  }
0x19e: {  	v53 =	vld.idx.msk [tilespmem:v1+s26+$0xC0 ss:$0x1], $0xffff;
	v52 =	vadd.f32 v46, v45  }
0x19f: {  	v54 =	vld.idx.msk [tilespmem:v1+s26+$0x80C0 ss:$0x1], $0xffff;
	v11 =	vmax.f32 v11, $0.0e+00  }
0x1a0: {  	v55 =	vld.idx.msk [tilespmem:v1+s22+$0x100E0 ss:$0x1], $0xffff;
	v12 =	vadd.f32 v47, v52;
	v11 =	vpsel !p4, $0x0, v11  }
0x1a1: {  	v57 =	vld.idx.msk [tilespmem:v1+s26+$0x100C0 ss:$0x1], $0xffff;
	v56 =	vadd.f32 v50, v49;
	[tilespmem:s23+$0x180C0] =	vst v11  }
0x1a2: {  	v58 =	vld.idx.msk [tilespmem:v1+s23+$0xD0 ss:$0x1], $0xffff;
	v12 =	vmax.f32 v12, $0.0e+00  }
0x1a3: {  	v11 =	vadd.f32 v51, v56;
	v59 =	vld.idx.msk [tilespmem:v1+s23+$0x80D0 ss:$0x1], $0xffff;
	v12 =	vpsel !p5, $0x0, v12  }
0x1a4: {  	v60 =	vld.idx.msk [tilespmem:v1+s23+$0x100D0 ss:$0x1], $0xffff;
	v15 =	vadd.f32 v54, v53;
	[tilespmem:s24+$0x180C0] =	vst v12  }
0x1a5: {  	v11 =	vmax.f32 v11, $0.0e+00;
	v61 =	vld.idx.msk [tilespmem:v1+s24+$0xD0 ss:$0x1], $0xffff  }
0x1a6: {  	v19 =	vadd.f32 v38, v63;
	v15 =	vadd.f32 v57, v15;
	v62 =	vld.idx.msk [tilespmem:v1+s24+$0x80D0 ss:$0x1], $0xffff;
	v11 =	vpsel !p6, $0x0, v11  }
0x1a7: {  	v63 =	vld.idx.msk [tilespmem:v1+s24+$0x100D0 ss:$0x1], $0xffff;
	[tilespmem:s25+$0x180C0] =	vst v11  }
0x1a8: {  	v21 =	vadd.f32 v55, v19;
	v15 =	vmax.f32 v15, $0.0e+00;
	v13 =	vadd.f32 v59, v58;
	v22 =	vld.idx.msk [tilespmem:v1+s25+$0xD0 ss:$0x1], $0xffff  }
0x1a9: {  	v23 =	vld.idx.msk [tilespmem:v1+s25+$0x80D0 ss:$0x1], $0xffff;
	v15 =	vpsel !p0, $0x0, v15  }
0x1aa: {  	v11 =	vmax.f32 v21, $0.0e+00;
	v24 =	vld.idx.msk [tilespmem:v1+s25+$0x100D0 ss:$0x1], $0xffff;
	[tilespmem:s26+$0x180C0] =	vst v15;
	v12 =	vadd.f32 v60, v13  }
0x1ab: {  	v11 =	vpsel !p3, $0x0, v11;
	v26 =	vld.idx.msk [tilespmem:v1+s26+$0xD0 ss:$0x1], $0xffff;
	v25 =	vadd.f32 v62, v61  }
0x1ac: {  	[tilespmem:s22+$0x180E0] =	vst v11;
	v28 =	vld.idx.msk [tilespmem:v1+s26+$0x80D0 ss:$0x1], $0xffff;
	v27 =	vmax.f32 v12, $0.0e+00  }
0x1ad: {  	v29 =	vld.idx.msk [tilespmem:v1+s22+$0xF0 ss:$0x1], $0xffff;
	v11 =	vpsel !p4, $0x0, v27;
	v15 =	vadd.f32 v63, v25  }
0x1ae: {  	v31 =	vld.idx.msk [tilespmem:v1+s26+$0x100D0 ss:$0x1], $0xffff;
	v30 =	vadd.f32 v23, v22;
	[tilespmem:s23+$0x180D0] =	vst v11  }
0x1af: {  	v32 =	vld.idx.msk [tilespmem:v1+s23+$0xE0 ss:$0x1], $0xffff;
	v15 =	vmax.f32 v15, $0.0e+00  }
0x1b0: {  	v33 =	vld.idx.msk [tilespmem:v1+s23+$0x80E0 ss:$0x1], $0xffff;
	v11 =	vadd.f32 v24, v30;
	v15 =	vpsel !p5, $0x0, v15  }
0x1b1: {  	v34 =	vld.idx.msk [tilespmem:v1+s23+$0x100E0 ss:$0x1], $0xffff;
	v12 =	vadd.f32 v28, v26;
	[tilespmem:s24+$0x180D0] =	vst v15  }
0x1b2: {  	v11 =	vmax.f32 v11, $0.0e+00;
	v15 =	vld.idx.msk [tilespmem:v1+s24+$0xE0 ss:$0x1], $0xffff  }
0x1b3: {  	v12 =	vadd.f32 v31, v12;
	v35 =	vld.idx.msk [tilespmem:v1+s24+$0x80E0 ss:$0x1], $0xffff;
	v11 =	vpsel !p6, $0x0, v11  }
0x1b4: {  	v36 =	vld.idx.msk [tilespmem:v1+s24+$0x100E0 ss:$0x1], $0xffff;
	[tilespmem:s25+$0x180D0] =	vst v11  }
0x1b5: {  	v12 =	vmax.f32 v12, $0.0e+00;
	v11 =	vld.idx.msk [tilespmem:v1+s25+$0xE0 ss:$0x1], $0xffff  }
0x1b6: {  	v16 =	vadd.f32 v33, v32;
	v37 =	vld.idx.msk [tilespmem:v1+s25+$0x80E0 ss:$0x1], $0xffff;
	v12 =	vpsel !p0, $0x0, v12  }
0x1b7: {  	v38 =	vld.idx.msk [tilespmem:v1+s25+$0x100E0 ss:$0x1], $0xffff;
	[tilespmem:s26+$0x180D0] =	vst v12  }
0x1b8: {  	v39 =	vadd.f32 v34, v16;
	v40 =	vld.idx.msk [tilespmem:v1+s26+$0xE0 ss:$0x1], $0xffff  }
0x1b9: {  	v41 =	vld.idx.msk [tilespmem:v1+s26+$0x80E0 ss:$0x1], $0xffff;
	v15 =	vadd.f32 v35, v15  }
0x1ba: {  	v42 =	vld.idx.msk [tilespmem:v1+s22+$0x80F0 ss:$0x1], $0xffff;
	v12 =	vmax.f32 v39, $0.0e+00  }
0x1bb: {  	v43 =	vld.idx.msk [tilespmem:v1+s26+$0x100E0 ss:$0x1], $0xffff;
	v12 =	vpsel !p4, $0x0, v12;
	v14 =	vadd.f32 v36, v15  }
0x1bc: {  	v44 =	vld.idx.msk [tilespmem:v1+s22+$0x100F0 ss:$0x1], $0xffff;
	v11 =	vadd.f32 v37, v11;
	[tilespmem:s23+$0x180E0] =	vst v12  }
0x1bd: {  	v45 =	vld.idx.msk [tilespmem:v1+s23+$0xF0 ss:$0x1], $0xffff;
	v14 =	vmax.f32 v14, $0.0e+00  }
0x1be: {  	v11 =	vadd.f32 v38, v11;
	v46 =	vld.idx.msk [tilespmem:v1+s23+$0x80F0 ss:$0x1], $0xffff;
	v13 =	vadd.f32 v41, v40;
	v14 =	vpsel !p5, $0x0, v14  }
0x1bf: {  	v47 =	vld.idx.msk [tilespmem:v1+s23+$0x100F0 ss:$0x1], $0xffff;
	[tilespmem:s24+$0x180E0] =	vst v14  }
0x1c0: {  	v11 =	vmax.f32 v11, $0.0e+00;
	v13 =	vadd.f32 v43, v13;
	v14 =	vld.idx.msk [tilespmem:v1+s24+$0xF0 ss:$0x1], $0xffff  }
0x1c1: {  	v3 =	vadd.f32 v4, v3;
	v48 =	vld.idx.msk [tilespmem:v1+s24+$0x80F0 ss:$0x1], $0xffff;
	v11 =	vpsel !p6, $0x0, v11  }
0x1c2: {  	s30 =	sld [smem:$0x7FC];
	v49 =	vld.idx.msk [tilespmem:v1+s24+$0x100F0 ss:$0x1], $0xffff;
	[tilespmem:s25+$0x180E0] =	vst v11;
	v13 =	vmax.f32 v13, $0.0e+00  }
0x1c3: {  	v2 =	vadd.f32 v2, v3;
	v9 =	vadd.f32 v10, v9;
	v51 =	vld.idx.msk [tilespmem:v1+s25+$0xF0 ss:$0x1], $0xffff;
	v52 =	vpsel !p0, $0x0, v13  }
0x1c4: {  	v53 =	vld.idx.msk [tilespmem:v1+s25+$0x80F0 ss:$0x1], $0xffff;
	[tilespmem:s26+$0x180E0] =	vst v52  }
0x1c5: {  	p1 =	seq.s32 s30, $0x1;
	v2 =	vmax.f32 v2, $0.0e+00;
	v55 =	vadd.f32 v8, v9;
	v50 =	vadd.f32 v7, v6;
	v54 =	vld.idx.msk [tilespmem:v1+s26+$0xF0 ss:$0x1], $0xffff  }
0x1c6: {  	s31 =	sld [smem:$0x7FD];
	v2 =	vpsel !p1, $0x0, v2;
	v56 =	vld.idx.msk [tilespmem:v1+s26+$0x80F0 ss:$0x1], $0xffff  }
0x1c7: {  	v3 =	vadd.f32 v5, v50;
	v5 =	vmax.f32 v55, $0.0e+00;
	v57 =	vadd.f32 v42, v29;
	v58 =	vld.idx.msk [tilespmem:v1+s25+$0x100F0 ss:$0x1], $0xffff  }
0x1c8: {  	[tilespmem:s19+$0x180F0] =	vst v2;
	v2 =	vpsel !p2, $0x0, v5;
	v59 =	vadd.f32 v46, v45;
	v60 =	vld.idx.msk [tilespmem:v1+s26+$0x100F0 ss:$0x1], $0xffff  }
0x1c9: {  	p1 =	seq.s32 s31, $0x1;
	v3 =	vmax.f32 v3, $0.0e+00;
	v9 =	vadd.f32 v44, v57;
	v61 =	vadd.f32 v48, v14  }
0x1ca: {  	v3 =	vpsel !p1, $0x0, v3;
	v62 =	vadd.f32 v47, v59;
	v6 =	vadd.f32 v53, v51  }
0x1cb: {  	[tilespmem:s20+$0x180F0] =	vst v3;
	v63 =	vmax.f32 v9, $0.0e+00;
	v3 =	vadd.f32 v49, v61;
	v4 =	vadd.f32 v56, v54  }
0x1cc: {  	[tilespmem:s21+$0x180F0] =	vst v2;
	v2 =	vpsel !p3, $0x0, v63;
	v5 =	vmax.f32 v62, $0.0e+00;
	v6 =	vadd.f32 v58, v6  }
0x1cd: {  	[tilespmem:s22+$0x180F0] =	vst v2;
	v2 =	vpsel !p4, $0x0, v5;
	v3 =	vmax.f32 v3, $0.0e+00;
	v4 =	vadd.f32 v60, v4  }
0x1ce: {  	[tilespmem:s23+$0x180F0] =	vst v2;
	v2 =	vpsel !p5, $0x0, v3;
	v3 =	vmax.f32 v6, $0.0e+00  }
0x1cf: {  	s18 =	sadd.s32 $0x8, s18;
	[tilespmem:s24+$0x180F0] =	vst v2;
	v2 =	vpsel !p6, $0x0, v3;
	v3 =	vmax.f32 v4, $0.0e+00  }
0x1d0: {  	[tilespmem:s25+$0x180F0] =	vst v2;
	v2 =	vpsel !p0, $0x0, v3;
	p0 =	slt.s32 s18, s17  }
.Ltmp9:
0x1d1: {  	_ = 	snop;
	(pc) =	sbr.rel @p0 .LBB2_10-.Ltmp9, $2  }
0x1d2: {  	_ =	sdelay $0x2  }
0x1d3: {  	[tilespmem:s26+$0x180F0] =	vst v2  }
.Ltmp10:
0x1d4: {  	_ = 	snop;
	(pc) =	sbr.rel .LBB2_11-.Ltmp10, $1  }
0x1d5: {  	_ =	sdelay $0x3  }
.LBB2_13:
0x1d6: {  	_ =	sfence.sel $0x180000  }
0x1d7: {  	[bflag:$0x0] =	sbarrier.arrive $0xFFFF  }
0x1d8: {  	p0 =	sne.s32 s0, $0x0;
	_ =	strace $0x90000047  }
0x1d9: {  	s0 =	sadd.s32 @!p0 $0x100000, s2;
	[bflag:$0x2] =	sbarrier.arrive $0xFFFF  }
0x1da: {  	[sflag:s0] =	ssyncadd.tile.s32 @!p0 $0x1;
	_ =	shalt  }
.Lfunc_end2:
_tile_overlayer_lowered:
.L_overlay_start_2:
0x1db: {  	(tag) =	ssettag $0x2  }
0x1dc: {  	s0 =	rddreg [dreg:$0x0];
	s2 =	stileid.u32  }
0x1dd: {  	s1 =	rddreg [dreg:$0x1];
	p0 =	sne.s32 s2, $0x0  }
0x1de: {  	s3 =	rddreg [dreg:$0x2];
	[bflag:$0x3] =	sbarrier.arrive $0xFFFF;
	s2 =	simm.s32 @!p0 $0x1C04  }
0x1df: {  	[timem:s3], [sflag:s2] =	dma.local @!p0 [hbm:s0], s1  }
0x1e0: {  	s0 =	simm.s32 @!p0 $0x4  }
0x1e1: {  	_ =	swait.ge @!p0 [sflag:s0], s1  }
0x1e2: {  	s1 =	ssub.s32 @!p0 $0x0, s1;
	[sflag:s0] =	ssyncset.done @!p0 $0x0  }
0x1e3: {  	[sflag:s0] =	ssyncadd.s32 @!p0 s1  }
0x1e4: {  	[bflag:$0x3] =	sbarrier.arrive $0xFFFF  }
0x1e5: {  	_ =	shalt  }

</sc_bundles>
